<compile_context>
chip_gen: v7x
topology: tpu7x:2x2x1
jax: 0.10.2.dev20260603
libtpu: 0.0.44.dev20260713+nightly
codegen_flags: <defaults>
</compile_context>

<pallas_src>
import jax
import jax.numpy as jnp
from jax import lax
from jax.experimental import pallas as pl
from jax.experimental.pallas import tpu as pltpu
from jax.experimental.pallas import tpu_sc as plsc

N_NODES = 10000
D = 128
NW = 16
C = 128
K = 80
NC = 2
NS = 16
E_PAD = NC * NS * K * C


def _tab_body(w_ref, x_ref, o_ref):
    o_ref[0] = jnp.tanh(w_ref[pl.program_id(1), 0] * x_ref[...])


_tc_tab = pl.pallas_call(
    _tab_body,
    out_shape=jax.ShapeDtypeStruct((NW, N_NODES, D), jnp.float32),
    grid=(10, NW),
    in_specs=[pl.BlockSpec(memory_space=pltpu.SMEM),
              pl.BlockSpec((1000, D), lambda j, i: (j, 0))],
    out_specs=pl.BlockSpec((1, 1000, D), lambda j, i: (i, j, 0)),
)


def _sc_body(t_hbm, fidx_hbm, dst_hbm, wix_hbm, out_hbm,
             srcv, dstv, wiv, rows, acc):
    c = lax.axis_index("c")
    s = lax.axis_index("s")
    b = c * NS + s

    pltpu.sync_copy(fidx_hbm.at[b], srcv)
    pltpu.sync_copy(dst_hbm.at[b], dstv)
    pltpu.sync_copy(wix_hbm.at[b], wiv)

    def _zero_row(e, _):
        for k in range(8):
            rows[0, e, pl.ds(k * 16, 16)] = jnp.zeros((16,), jnp.float32)
        return 0
    lax.fori_loop(0, C, _zero_row, 0)
    base = s * 624
    for i in range(4):
        pltpu.sync_copy(rows.at[0], acc.at[pl.ds(base + i * C, C)])
    pltpu.sync_copy(rows.at[0, pl.ds(0, 112)], acc.at[pl.ds(base + 512, 112)])

    @pl.when(s == 0)
    def _zero_tail():
        pltpu.sync_copy(rows.at[0, pl.ds(0, 16)], acc.at[pl.ds(9984, 16)])

    def _fold(j, _):
        for g in range(C // 16):
            sl = pl.ds(g * 16, 16)
            srcv[j, sl] = srcv[j, sl] + wiv[j, sl] * N_NODES
        return 0
    lax.fori_loop(0, K, _fold, 0)
    plsc.subcore_barrier()

    def _chunk(j, _):
        pltpu.sync_copy(t_hbm.at[srcv.at[j]], rows.at[0])
        pltpu.sync_copy(rows.at[0], acc.at[dstv.at[j]], add=True)
        return 0
    lax.fori_loop(0, K, _chunk, 0)

    plsc.subcore_barrier()
    pltpu.sync_copy(acc.at[pl.ds(base, 624)],
                    out_hbm.at[c, pl.ds(base, 624)])

    @pl.when(s == 0)
    def _write_tail():
        pltpu.sync_copy(acc.at[pl.ds(9984, 16)],
                        out_hbm.at[c, pl.ds(9984, 16)])


_sc_call = pl.kernel(
    _sc_body,
    out_type=jax.ShapeDtypeStruct((NC, N_NODES, D), jnp.float32),
    mesh=plsc.VectorSubcoreMesh(core_axis_name="c", subcore_axis_name="s"),
    scratch_types=[
        pltpu.VMEM((K, C), jnp.int32),
        pltpu.VMEM((K, C), jnp.int32),
        pltpu.VMEM((K, C), jnp.int32),
        pltpu.VMEM((1, C, D), jnp.float32),
        pltpu.VMEM_SHARED((N_NODES + 8, D), jnp.float32),
    ],
)


def _add_body(p_ref, o_ref):
    o_ref[...] = p_ref[0] + p_ref[1]


_tc_add = pl.pallas_call(
    _add_body,
    out_shape=jax.ShapeDtypeStruct((N_NODES, D), jnp.float32),
    grid=(10,),
    in_specs=[pl.BlockSpec((2, 1000, D), lambda i: (0, i, 0))],
    out_specs=pl.BlockSpec((1000, D), lambda i: (i, 0)),
)


@jax.jit
def kernel(x, edge_index, edge_weight_idx, weights):
    e = edge_index.shape[1]
    pad = E_PAD - e
    src = jnp.concatenate([edge_index[0], jnp.zeros((pad,), jnp.int32)])
    dst = jnp.concatenate([edge_index[1],
                           jnp.full((pad,), N_NODES, jnp.int32)])
    wix = jnp.concatenate([edge_weight_idx, jnp.zeros((pad,), jnp.int32)])
    src3 = src.reshape(NC * NS, K, C)
    dst3 = dst.reshape(NC * NS, K, C)
    wix3 = wix.reshape(NC * NS, K, C)
    tab = _tc_tab(weights.reshape(NW, 1), x).reshape(NW * N_NODES, D)
    partials = _sc_call(tab, src3, dst3, wix3)
    return _tc_add(partials)

# --- scband reference (transcript-rebuilt; emitter-appended) ---
"""Pipeline reference for scband-neura-logic-helper-layer-85495618994492 (READ-ONLY COPY).

The authoritative reference and input builder live on the scoring server;
editing this copy changes nothing except your own understanding.
"""

import jax, jax.numpy as jnp
import numpy as np

N_NODES = 10000
N_EDGES = 320000
D_FEAT = 128
N_WEIGHTS = 16


def setup_inputs(seed: int = 0) -> dict:
    key = jax.random.key(seed)
    k1, k2, k3, k4 = jax.random.split(key, 4)
    x = jax.random.normal(k1, (N_NODES, D_FEAT), dtype=jnp.float32)
    # int32 used for indices (values < 2**31); torch side uses int64
    edge_index = jax.random.randint(k2, (2, N_EDGES), 0, N_NODES, dtype=jnp.int32)
    edge_weight_idx = jax.random.randint(k3, (N_EDGES,), 0, N_WEIGHTS, dtype=jnp.int32)
    # learned scalar weight table (the ParameterList `weights` in the torch module)
    weights = jax.random.normal(k4, (N_WEIGHTS,), dtype=jnp.float32) * 0.2
    return {"x": x, "edge_index": edge_index, "edge_weight_idx": edge_weight_idx, "weights": weights}


def reference(x, edge_index, edge_weight_idx, weights):
    # Faithful translation of NeuraLogicHelperLayer.forward:
    #   per-edge message m = activation(x[src] * w_edge), reduce = Sum over dst.
    # The python-side neuron loop is materialized as edge_index (src,dst) and
    # edge_weight_idx (index into the scalar weight table, i.e. weights[weight+1]).
    src = edge_index[0]
    dst = edge_index[1]
    w = weights[edge_weight_idx]                 # gather scalar weight per edge
    xs = jnp.take(x, src, axis=0)                # gather src node features [E, d]
    msg = jnp.tanh(xs * w[:, None])              # activation('Tanh') of weighted message
    out = jax.ops.segment_sum(msg, dst, num_segments=N_NODES)  # fn.sum reduce -> ndata['x']
    return out

if __name__ == "__main__":
    import jax
    _d = setup_inputs()
    print(jax.jit(kernel)(*tuple(_d.values())))

</pallas_src>

<mosaic_0001>
#map = affine_map<(d0, d1) -> (0, 0)>
#map1 = affine_map<(d0, d1) -> (0, 0, 0)>
module attributes {stable_mosaic.version = 14 : i64} {
  func.func @_sc_body(%arg0: i32, %arg1: i32, %arg2: memref<160000x128xf32, #tpu.memory_space<hbm>>, %arg3: memref<32x80x128xi32, #tpu.memory_space<hbm>>, %arg4: memref<32x80x128xi32, #tpu.memory_space<hbm>>, %arg5: memref<32x80x128xi32, #tpu.memory_space<hbm>>, %arg6: memref<2x10000x128xf32, #tpu.memory_space<hbm>>, %arg7: memref<80x128xi32, #tpu.memory_space<vmem>>, %arg8: memref<80x128xi32, #tpu.memory_space<vmem>>, %arg9: memref<80x128xi32, #tpu.memory_space<vmem>>, %arg10: memref<1x128x128xf32, #tpu.memory_space<vmem>>, %arg11: memref<10008x128xf32, #tpu.memory_space<vmem_shared>>) attributes {dimension_semantics = [#tpu.dimension_semantics<core_parallel>, #tpu.dimension_semantics<subcore_parallel>], iteration_bounds = array<i64: 2, 16>, scalar_prefetch = 0 : i64, scratch_operands = 5 : i64, tpu.core_type = #tpu.core_type<sc_vector_subcore>, window_params = [{transform_indices = #map}, {transform_indices = #map1}, {transform_indices = #map1}, {transform_indices = #map1}, {transform_indices = #map1}]} {
    %mul3A = arith.constant 16 : i32
    %mul3A_0 = arith.muli %arg0, %mul3A : i32
    %add3A = arith.addi %mul3A_0, %arg1 : i32
    "tpu.region"() ({
      %run_scoped3A_45 = tpu.sem_alloc : memref<!tpu.dma_semaphore, #tpu.memory_space<semaphore_mem>>
      %dma_start3A = arith.constant 0 : i32
      %dma_start3A_46 = arith.constant 0 : i32
      %dma_start3A_47 = tpu.memref_slice %arg3[%add3A, %dma_start3A, %dma_start3A_46] : memref<32x80x128xi32, #tpu.memory_space<hbm>> -> memref<1x80x128xi32, #tpu.memory_space<hbm>>
      %dma_start3A_48 = tpu.memref_squeeze %dma_start3A_47 : memref<1x80x128xi32, #tpu.memory_space<hbm>> -> memref<80x128xi32, #tpu.memory_space<hbm>>
      %dma_start3A_49 = arith.constant 0 : i32
      %dma_start3A_50 = arith.constant 0 : i32
      %dma_start3A_51 = tpu.memref_slice %arg3[%add3A, %dma_start3A_49, %dma_start3A_50] : memref<32x80x128xi32, #tpu.memory_space<hbm>> -> memref<1x80x128xi32, #tpu.memory_space<hbm>>
      %dma_start3A_52 = tpu.memref_squeeze %dma_start3A_51 : memref<1x80x128xi32, #tpu.memory_space<hbm>> -> memref<80x128xi32, #tpu.memory_space<hbm>>
      tpu.enqueue_dma source(%dma_start3A_52 : memref<80x128xi32, #tpu.memory_space<hbm>>) target(%arg7 : memref<80x128xi32, #tpu.memory_space<vmem>>) target_semaphore(%run_scoped3A_45 : memref<!tpu.dma_semaphore, #tpu.memory_space<semaphore_mem>>)
      %dma_wait3A = arith.constant 0 : i32
      %dma_wait3A_53 = arith.constant 0 : i32
      %dma_wait3A_54 = tpu.memref_slice %arg3[%add3A, %dma_wait3A, %dma_wait3A_53] : memref<32x80x128xi32, #tpu.memory_space<hbm>> -> memref<1x80x128xi32, #tpu.memory_space<hbm>>
      %dma_wait3A_55 = tpu.memref_squeeze %dma_wait3A_54 : memref<1x80x128xi32, #tpu.memory_space<hbm>> -> memref<80x128xi32, #tpu.memory_space<hbm>>
      %dma_wait3A_56 = arith.constant 0 : i32
      %dma_wait3A_57 = arith.constant 0 : i32
      %dma_wait3A_58 = tpu.memref_slice %arg3[%add3A, %dma_wait3A_56, %dma_wait3A_57] : memref<32x80x128xi32, #tpu.memory_space<hbm>> -> memref<1x80x128xi32, #tpu.memory_space<hbm>>
      %dma_wait3A_59 = tpu.memref_squeeze %dma_wait3A_58 : memref<1x80x128xi32, #tpu.memory_space<hbm>> -> memref<80x128xi32, #tpu.memory_space<hbm>>
      tpu.wait_dma2 semaphore(%run_scoped3A_45 : memref<!tpu.dma_semaphore, #tpu.memory_space<semaphore_mem>>) src(%dma_wait3A_59 : memref<80x128xi32, #tpu.memory_space<hbm>>) dst(%arg7 : memref<80x128xi32, #tpu.memory_space<vmem>>)
      tpu.yield
    }) : () -> ()
    "tpu.region"() ({
      %run_scoped3A_45 = tpu.sem_alloc : memref<!tpu.dma_semaphore, #tpu.memory_space<semaphore_mem>>
      %dma_start3A = arith.constant 0 : i32
      %dma_start3A_46 = arith.constant 0 : i32
      %dma_start3A_47 = tpu.memref_slice %arg4[%add3A, %dma_start3A, %dma_start3A_46] : memref<32x80x128xi32, #tpu.memory_space<hbm>> -> memref<1x80x128xi32, #tpu.memory_space<hbm>>
      %dma_start3A_48 = tpu.memref_squeeze %dma_start3A_47 : memref<1x80x128xi32, #tpu.memory_space<hbm>> -> memref<80x128xi32, #tpu.memory_space<hbm>>
      %dma_start3A_49 = arith.constant 0 : i32
      %dma_start3A_50 = arith.constant 0 : i32
      %dma_start3A_51 = tpu.memref_slice %arg4[%add3A, %dma_start3A_49, %dma_start3A_50] : memref<32x80x128xi32, #tpu.memory_space<hbm>> -> memref<1x80x128xi32, #tpu.memory_space<hbm>>
      %dma_start3A_52 = tpu.memref_squeeze %dma_start3A_51 : memref<1x80x128xi32, #tpu.memory_space<hbm>> -> memref<80x128xi32, #tpu.memory_space<hbm>>
      tpu.enqueue_dma source(%dma_start3A_52 : memref<80x128xi32, #tpu.memory_space<hbm>>) target(%arg8 : memref<80x128xi32, #tpu.memory_space<vmem>>) target_semaphore(%run_scoped3A_45 : memref<!tpu.dma_semaphore, #tpu.memory_space<semaphore_mem>>)
      %dma_wait3A = arith.constant 0 : i32
      %dma_wait3A_53 = arith.constant 0 : i32
      %dma_wait3A_54 = tpu.memref_slice %arg4[%add3A, %dma_wait3A, %dma_wait3A_53] : memref<32x80x128xi32, #tpu.memory_space<hbm>> -> memref<1x80x128xi32, #tpu.memory_space<hbm>>
      %dma_wait3A_55 = tpu.memref_squeeze %dma_wait3A_54 : memref<1x80x128xi32, #tpu.memory_space<hbm>> -> memref<80x128xi32, #tpu.memory_space<hbm>>
      %dma_wait3A_56 = arith.constant 0 : i32
      %dma_wait3A_57 = arith.constant 0 : i32
      %dma_wait3A_58 = tpu.memref_slice %arg4[%add3A, %dma_wait3A_56, %dma_wait3A_57] : memref<32x80x128xi32, #tpu.memory_space<hbm>> -> memref<1x80x128xi32, #tpu.memory_space<hbm>>
      %dma_wait3A_59 = tpu.memref_squeeze %dma_wait3A_58 : memref<1x80x128xi32, #tpu.memory_space<hbm>> -> memref<80x128xi32, #tpu.memory_space<hbm>>
      tpu.wait_dma2 semaphore(%run_scoped3A_45 : memref<!tpu.dma_semaphore, #tpu.memory_space<semaphore_mem>>) src(%dma_wait3A_59 : memref<80x128xi32, #tpu.memory_space<hbm>>) dst(%arg8 : memref<80x128xi32, #tpu.memory_space<vmem>>)
      tpu.yield
    }) : () -> ()
    "tpu.region"() ({
      %run_scoped3A_45 = tpu.sem_alloc : memref<!tpu.dma_semaphore, #tpu.memory_space<semaphore_mem>>
      %dma_start3A = arith.constant 0 : i32
      %dma_start3A_46 = arith.constant 0 : i32
      %dma_start3A_47 = tpu.memref_slice %arg5[%add3A, %dma_start3A, %dma_start3A_46] : memref<32x80x128xi32, #tpu.memory_space<hbm>> -> memref<1x80x128xi32, #tpu.memory_space<hbm>>
      %dma_start3A_48 = tpu.memref_squeeze %dma_start3A_47 : memref<1x80x128xi32, #tpu.memory_space<hbm>> -> memref<80x128xi32, #tpu.memory_space<hbm>>
      %dma_start3A_49 = arith.constant 0 : i32
      %dma_start3A_50 = arith.constant 0 : i32
      %dma_start3A_51 = tpu.memref_slice %arg5[%add3A, %dma_start3A_49, %dma_start3A_50] : memref<32x80x128xi32, #tpu.memory_space<hbm>> -> memref<1x80x128xi32, #tpu.memory_space<hbm>>
      %dma_start3A_52 = tpu.memref_squeeze %dma_start3A_51 : memref<1x80x128xi32, #tpu.memory_space<hbm>> -> memref<80x128xi32, #tpu.memory_space<hbm>>
      tpu.enqueue_dma source(%dma_start3A_52 : memref<80x128xi32, #tpu.memory_space<hbm>>) target(%arg9 : memref<80x128xi32, #tpu.memory_space<vmem>>) target_semaphore(%run_scoped3A_45 : memref<!tpu.dma_semaphore, #tpu.memory_space<semaphore_mem>>)
      %dma_wait3A = arith.constant 0 : i32
      %dma_wait3A_53 = arith.constant 0 : i32
      %dma_wait3A_54 = tpu.memref_slice %arg5[%add3A, %dma_wait3A, %dma_wait3A_53] : memref<32x80x128xi32, #tpu.memory_space<hbm>> -> memref<1x80x128xi32, #tpu.memory_space<hbm>>
      %dma_wait3A_55 = tpu.memref_squeeze %dma_wait3A_54 : memref<1x80x128xi32, #tpu.memory_space<hbm>> -> memref<80x128xi32, #tpu.memory_space<hbm>>
      %dma_wait3A_56 = arith.constant 0 : i32
      %dma_wait3A_57 = arith.constant 0 : i32
      %dma_wait3A_58 = tpu.memref_slice %arg5[%add3A, %dma_wait3A_56, %dma_wait3A_57] : memref<32x80x128xi32, #tpu.memory_space<hbm>> -> memref<1x80x128xi32, #tpu.memory_space<hbm>>
      %dma_wait3A_59 = tpu.memref_squeeze %dma_wait3A_58 : memref<1x80x128xi32, #tpu.memory_space<hbm>> -> memref<80x128xi32, #tpu.memory_space<hbm>>
      tpu.wait_dma2 semaphore(%run_scoped3A_45 : memref<!tpu.dma_semaphore, #tpu.memory_space<semaphore_mem>>) src(%dma_wait3A_59 : memref<80x128xi32, #tpu.memory_space<hbm>>) dst(%arg9 : memref<80x128xi32, #tpu.memory_space<vmem>>)
      tpu.yield
    }) : () -> ()
    %scan3A = arith.constant 0 : i32
    %scan3A_1 = arith.constant 0 : i32
    %scan3A_2 = arith.constant 128 : i32
    %scan3A_3 = arith.addi %scan3A_1, %scan3A_2 : i32
    %scan3A_4 = arith.constant 1 : i32
    %scan3A_5 = scf.for %scan3A_45 = %scan3A_1 to %scan3A_3 step %scan3A_4 iter_args(%scan3A_46 = %scan3A) -> (i32)  : i32 {
      %broadcast_in_dim3A = arith.constant 0.000000e+00 : f32
      %broadcast_in_dim3A_47 = vector.broadcast %broadcast_in_dim3A : f32 to vector<16xf32>
      %swap3A = arith.constant 0 : i32
      %swap3A_48 = arith.index_cast %swap3A : i32 to index
      %swap3A_49 = arith.index_cast %scan3A_45 : i32 to index
      %swap3A_50 = arith.constant 0 : index
      %swap3A_51 = tpu.vector_load %arg10[%swap3A_48, %swap3A_49, %swap3A_50] {strides = array<i32>} : memref<1x128x128xf32, #tpu.memory_space<vmem>>, vector<1x1x16xf32>,
      %swap3A_52 = vector.shape_cast %swap3A_51 : vector<1x1x16xf32> to vector<16xf32>
      %swap3A_53 = vector.shape_cast %broadcast_in_dim3A_47 : vector<16xf32> to vector<1x1x16xf32>
      tpu.vector_store %arg10[%swap3A_48, %swap3A_49, %swap3A_50], %swap3A_53 {strides = array<i32>} : memref<1x128x128xf32, #tpu.memory_space<vmem>>, vector<1x1x16xf32>,
      %broadcast_in_dim3A_54 = arith.constant 0.000000e+00 : f32
      %broadcast_in_dim3A_55 = vector.broadcast %broadcast_in_dim3A_54 : f32 to vector<16xf32>
      %swap3A_56 = arith.constant 0 : i32
      %swap3A_57 = arith.index_cast %swap3A_56 : i32 to index
      %swap3A_58 = arith.index_cast %scan3A_45 : i32 to index
      %swap3A_59 = arith.constant 16 : index
      %swap3A_60 = tpu.vector_load %arg10[%swap3A_57, %swap3A_58, %swap3A_59] {strides = array<i32>} : memref<1x128x128xf32, #tpu.memory_space<vmem>>, vector<1x1x16xf32>,
      %swap3A_61 = vector.shape_cast %swap3A_60 : vector<1x1x16xf32> to vector<16xf32>
      %swap3A_62 = vector.shape_cast %broadcast_in_dim3A_55 : vector<16xf32> to vector<1x1x16xf32>
      tpu.vector_store %arg10[%swap3A_57, %swap3A_58, %swap3A_59], %swap3A_62 {strides = array<i32>} : memref<1x128x128xf32, #tpu.memory_space<vmem>>, vector<1x1x16xf32>,
      %broadcast_in_dim3A_63 = arith.constant 0.000000e+00 : f32
      %broadcast_in_dim3A_64 = vector.broadcast %broadcast_in_dim3A_63 : f32 to vector<16xf32>
      %swap3A_65 = arith.constant 0 : i32
      %swap3A_66 = arith.index_cast %swap3A_65 : i32 to index
      %swap3A_67 = arith.index_cast %scan3A_45 : i32 to index
      %swap3A_68 = arith.constant 32 : index
      %swap3A_69 = tpu.vector_load %arg10[%swap3A_66, %swap3A_67, %swap3A_68] {strides = array<i32>} : memref<1x128x128xf32, #tpu.memory_space<vmem>>, vector<1x1x16xf32>,
      %swap3A_70 = vector.shape_cast %swap3A_69 : vector<1x1x16xf32> to vector<16xf32>
      %swap3A_71 = vector.shape_cast %broadcast_in_dim3A_64 : vector<16xf32> to vector<1x1x16xf32>
      tpu.vector_store %arg10[%swap3A_66, %swap3A_67, %swap3A_68], %swap3A_71 {strides = array<i32>} : memref<1x128x128xf32, #tpu.memory_space<vmem>>, vector<1x1x16xf32>,
      %broadcast_in_dim3A_72 = arith.constant 0.000000e+00 : f32
      %broadcast_in_dim3A_73 = vector.broadcast %broadcast_in_dim3A_72 : f32 to vector<16xf32>
      %swap3A_74 = arith.constant 0 : i32
      %swap3A_75 = arith.index_cast %swap3A_74 : i32 to index
      %swap3A_76 = arith.index_cast %scan3A_45 : i32 to index
      %swap3A_77 = arith.constant 48 : index
      %swap3A_78 = tpu.vector_load %arg10[%swap3A_75, %swap3A_76, %swap3A_77] {strides = array<i32>} : memref<1x128x128xf32, #tpu.memory_space<vmem>>, vector<1x1x16xf32>,
      %swap3A_79 = vector.shape_cast %swap3A_78 : vector<1x1x16xf32> to vector<16xf32>
      %swap3A_80 = vector.shape_cast %broadcast_in_dim3A_73 : vector<16xf32> to vector<1x1x16xf32>
      tpu.vector_store %arg10[%swap3A_75, %swap3A_76, %swap3A_77], %swap3A_80 {strides = array<i32>} : memref<1x128x128xf32, #tpu.memory_space<vmem>>, vector<1x1x16xf32>,
      %broadcast_in_dim3A_81 = arith.constant 0.000000e+00 : f32
      %broadcast_in_dim3A_82 = vector.broadcast %broadcast_in_dim3A_81 : f32 to vector<16xf32>
      %swap3A_83 = arith.constant 0 : i32
      %swap3A_84 = arith.index_cast %swap3A_83 : i32 to index
      %swap3A_85 = arith.index_cast %scan3A_45 : i32 to index
      %swap3A_86 = arith.constant 64 : index
      %swap3A_87 = tpu.vector_load %arg10[%swap3A_84, %swap3A_85, %swap3A_86] {strides = array<i32>} : memref<1x128x128xf32, #tpu.memory_space<vmem>>, vector<1x1x16xf32>,
      %swap3A_88 = vector.shape_cast %swap3A_87 : vector<1x1x16xf32> to vector<16xf32>
      %swap3A_89 = vector.shape_cast %broadcast_in_dim3A_82 : vector<16xf32> to vector<1x1x16xf32>
      tpu.vector_store %arg10[%swap3A_84, %swap3A_85, %swap3A_86], %swap3A_89 {strides = array<i32>} : memref<1x128x128xf32, #tpu.memory_space<vmem>>, vector<1x1x16xf32>,
      %broadcast_in_dim3A_90 = arith.constant 0.000000e+00 : f32
      %broadcast_in_dim3A_91 = vector.broadcast %broadcast_in_dim3A_90 : f32 to vector<16xf32>
      %swap3A_92 = arith.constant 0 : i32
      %swap3A_93 = arith.index_cast %swap3A_92 : i32 to index
      %swap3A_94 = arith.index_cast %scan3A_45 : i32 to index
      %swap3A_95 = arith.constant 80 : index
      %swap3A_96 = tpu.vector_load %arg10[%swap3A_93, %swap3A_94, %swap3A_95] {strides = array<i32>} : memref<1x128x128xf32, #tpu.memory_space<vmem>>, vector<1x1x16xf32>,
      %swap3A_97 = vector.shape_cast %swap3A_96 : vector<1x1x16xf32> to vector<16xf32>
      %swap3A_98 = vector.shape_cast %broadcast_in_dim3A_91 : vector<16xf32> to vector<1x1x16xf32>
      tpu.vector_store %arg10[%swap3A_93, %swap3A_94, %swap3A_95], %swap3A_98 {strides = array<i32>} : memref<1x128x128xf32, #tpu.memory_space<vmem>>, vector<1x1x16xf32>,
      %broadcast_in_dim3A_99 = arith.constant 0.000000e+00 : f32
      %broadcast_in_dim3A_100 = vector.broadcast %broadcast_in_dim3A_99 : f32 to vector<16xf32>
      %swap3A_101 = arith.constant 0 : i32
      %swap3A_102 = arith.index_cast %swap3A_101 : i32 to index
      %swap3A_103 = arith.index_cast %scan3A_45 : i32 to index
      %swap3A_104 = arith.constant 96 : index
      %swap3A_105 = tpu.vector_load %arg10[%swap3A_102, %swap3A_103, %swap3A_104] {strides = array<i32>} : memref<1x128x128xf32, #tpu.memory_space<vmem>>, vector<1x1x16xf32>,
      %swap3A_106 = vector.shape_cast %swap3A_105 : vector<1x1x16xf32> to vector<16xf32>
      %swap3A_107 = vector.shape_cast %broadcast_in_dim3A_100 : vector<16xf32> to vector<1x1x16xf32>
      tpu.vector_store %arg10[%swap3A_102, %swap3A_103, %swap3A_104], %swap3A_107 {strides = array<i32>} : memref<1x128x128xf32, #tpu.memory_space<vmem>>, vector<1x1x16xf32>,
      %broadcast_in_dim3A_108 = arith.constant 0.000000e+00 : f32
      %broadcast_in_dim3A_109 = vector.broadcast %broadcast_in_dim3A_108 : f32 to vector<16xf32>
      %swap3A_110 = arith.constant 0 : i32
      %swap3A_111 = arith.index_cast %swap3A_110 : i32 to index
      %swap3A_112 = arith.index_cast %scan3A_45 : i32 to index
      %swap3A_113 = arith.constant 112 : index
      %swap3A_114 = tpu.vector_load %arg10[%swap3A_111, %swap3A_112, %swap3A_113] {strides = array<i32>} : memref<1x128x128xf32, #tpu.memory_space<vmem>>, vector<1x1x16xf32>,
      %swap3A_115 = vector.shape_cast %swap3A_114 : vector<1x1x16xf32> to vector<16xf32>
      %swap3A_116 = vector.shape_cast %broadcast_in_dim3A_109 : vector<16xf32> to vector<1x1x16xf32>
      tpu.vector_store %arg10[%swap3A_111, %swap3A_112, %swap3A_113], %swap3A_116 {strides = array<i32>} : memref<1x128x128xf32, #tpu.memory_space<vmem>>, vector<1x1x16xf32>,
      %scan3A_117 = arith.constant 0 : i32
      scf.yield %scan3A_117 : i32
    }
    %scan3A_6 = arith.constant 128 : i32
    %mul3A_7 = arith.constant 624 : i32
    %mul3A_8 = arith.muli %arg1, %mul3A_7 : i32
    %add3A_9 = arith.constant 0 : i32
    %add3A_10 = arith.addi %mul3A_8, %add3A_9 : i32
    %run_scoped3A = arith.constant 0 : i32
    "tpu.region"() ({
      %run_scoped3A_45 = tpu.sem_alloc : memref<!tpu.dma_semaphore, #tpu.memory_space<semaphore_mem>>
      %dma_start3A = arith.constant 0 : i32
      %dma_start3A_46 = arith.constant 0 : i32
      %dma_start3A_47 = tpu.memref_slice %arg10[%run_scoped3A, %dma_start3A, %dma_start3A_46] : memref<1x128x128xf32, #tpu.memory_space<vmem>> -> memref<1x128x128xf32, #tpu.memory_space<vmem>>
      %dma_start3A_48 = tpu.memref_squeeze %dma_start3A_47 : memref<1x128x128xf32, #tpu.memory_space<vmem>> -> memref<128x128xf32, #tpu.memory_space<vmem>>
      %dma_start3A_49 = arith.constant 0 : i32
      %dma_start3A_50 = tpu.memref_slice %arg11[%add3A_10, %dma_start3A_49] : memref<10008x128xf32, #tpu.memory_space<vmem_shared>> -> memref<128x128xf32, #tpu.memory_space<vmem_shared>>
      %dma_start3A_51 = arith.constant 0 : i32
      %dma_start3A_52 = tpu.memref_slice %arg11[%add3A_10, %dma_start3A_51] : memref<10008x128xf32, #tpu.memory_space<vmem_shared>> -> memref<128x128xf32, #tpu.memory_space<vmem_shared>>
      %dma_start3A_53 = arith.constant 0 : i32
      %dma_start3A_54 = arith.constant 0 : i32
      %dma_start3A_55 = tpu.memref_slice %arg10[%run_scoped3A, %dma_start3A_53, %dma_start3A_54] : memref<1x128x128xf32, #tpu.memory_space<vmem>> -> memref<1x128x128xf32, #tpu.memory_space<vmem>>
      %dma_start3A_56 = tpu.memref_squeeze %dma_start3A_55 : memref<1x128x128xf32, #tpu.memory_space<vmem>> -> memref<128x128xf32, #tpu.memory_space<vmem>>
      tpu.enqueue_dma source(%dma_start3A_56 : memref<128x128xf32, #tpu.memory_space<vmem>>) target(%dma_start3A_52 : memref<128x128xf32, #tpu.memory_space<vmem_shared>>) target_semaphore(%run_scoped3A_45 : memref<!tpu.dma_semaphore, #tpu.memory_space<semaphore_mem>>)
      %dma_wait3A = arith.constant 0 : i32
      %dma_wait3A_57 = arith.constant 0 : i32
      %dma_wait3A_58 = tpu.memref_slice %arg10[%run_scoped3A, %dma_wait3A, %dma_wait3A_57] : memref<1x128x128xf32, #tpu.memory_space<vmem>> -> memref<1x128x128xf32, #tpu.memory_space<vmem>>
      %dma_wait3A_59 = tpu.memref_squeeze %dma_wait3A_58 : memref<1x128x128xf32, #tpu.memory_space<vmem>> -> memref<128x128xf32, #tpu.memory_space<vmem>>
      %dma_wait3A_60 = arith.constant 0 : i32
      %dma_wait3A_61 = tpu.memref_slice %arg11[%add3A_10, %dma_wait3A_60] : memref<10008x128xf32, #tpu.memory_space<vmem_shared>> -> memref<128x128xf32, #tpu.memory_space<vmem_shared>>
      %dma_wait3A_62 = arith.constant 0 : i32
      %dma_wait3A_63 = tpu.memref_slice %arg11[%add3A_10, %dma_wait3A_62] : memref<10008x128xf32, #tpu.memory_space<vmem_shared>> -> memref<128x128xf32, #tpu.memory_space<vmem_shared>>
      %dma_wait3A_64 = arith.constant 0 : i32
      %dma_wait3A_65 = arith.constant 0 : i32
      %dma_wait3A_66 = tpu.memref_slice %arg10[%run_scoped3A, %dma_wait3A_64, %dma_wait3A_65] : memref<1x128x128xf32, #tpu.memory_space<vmem>> -> memref<1x128x128xf32, #tpu.memory_space<vmem>>
      %dma_wait3A_67 = tpu.memref_squeeze %dma_wait3A_66 : memref<1x128x128xf32, #tpu.memory_space<vmem>> -> memref<128x128xf32, #tpu.memory_space<vmem>>
      tpu.wait_dma2 semaphore(%run_scoped3A_45 : memref<!tpu.dma_semaphore, #tpu.memory_space<semaphore_mem>>) src(%dma_wait3A_67 : memref<128x128xf32, #tpu.memory_space<vmem>>) dst(%dma_wait3A_63 : memref<128x128xf32, #tpu.memory_space<vmem_shared>>)
      tpu.yield
    }) : () -> ()
    %add3A_11 = arith.constant 128 : i32
    %add3A_12 = arith.addi %mul3A_8, %add3A_11 : i32
    %run_scoped3A_13 = arith.constant 0 : i32
    "tpu.region"() ({
      %run_scoped3A_45 = tpu.sem_alloc : memref<!tpu.dma_semaphore, #tpu.memory_space<semaphore_mem>>
      %dma_start3A = arith.constant 0 : i32
      %dma_start3A_46 = arith.constant 0 : i32
      %dma_start3A_47 = tpu.memref_slice %arg10[%run_scoped3A_13, %dma_start3A, %dma_start3A_46] : memref<1x128x128xf32, #tpu.memory_space<vmem>> -> memref<1x128x128xf32, #tpu.memory_space<vmem>>
      %dma_start3A_48 = tpu.memref_squeeze %dma_start3A_47 : memref<1x128x128xf32, #tpu.memory_space<vmem>> -> memref<128x128xf32, #tpu.memory_space<vmem>>
      %dma_start3A_49 = arith.constant 0 : i32
      %dma_start3A_50 = tpu.memref_slice %arg11[%add3A_12, %dma_start3A_49] : memref<10008x128xf32, #tpu.memory_space<vmem_shared>> -> memref<128x128xf32, #tpu.memory_space<vmem_shared>>
      %dma_start3A_51 = arith.constant 0 : i32
      %dma_start3A_52 = tpu.memref_slice %arg11[%add3A_12, %dma_start3A_51] : memref<10008x128xf32, #tpu.memory_space<vmem_shared>> -> memref<128x128xf32, #tpu.memory_space<vmem_shared>>
      %dma_start3A_53 = arith.constant 0 : i32
      %dma_start3A_54 = arith.constant 0 : i32
      %dma_start3A_55 = tpu.memref_slice %arg10[%run_scoped3A_13, %dma_start3A_53, %dma_start3A_54] : memref<1x128x128xf32, #tpu.memory_space<vmem>> -> memref<1x128x128xf32, #tpu.memory_space<vmem>>
      %dma_start3A_56 = tpu.memref_squeeze %dma_start3A_55 : memref<1x128x128xf32, #tpu.memory_space<vmem>> -> memref<128x128xf32, #tpu.memory_space<vmem>>
      tpu.enqueue_dma source(%dma_start3A_56 : memref<128x128xf32, #tpu.memory_space<vmem>>) target(%dma_start3A_52 : memref<128x128xf32, #tpu.memory_space<vmem_shared>>) target_semaphore(%run_scoped3A_45 : memref<!tpu.dma_semaphore, #tpu.memory_space<semaphore_mem>>)
      %dma_wait3A = arith.constant 0 : i32
      %dma_wait3A_57 = arith.constant 0 : i32
      %dma_wait3A_58 = tpu.memref_slice %arg10[%run_scoped3A_13, %dma_wait3A, %dma_wait3A_57] : memref<1x128x128xf32, #tpu.memory_space<vmem>> -> memref<1x128x128xf32, #tpu.memory_space<vmem>>
      %dma_wait3A_59 = tpu.memref_squeeze %dma_wait3A_58 : memref<1x128x128xf32, #tpu.memory_space<vmem>> -> memref<128x128xf32, #tpu.memory_space<vmem>>
      %dma_wait3A_60 = arith.constant 0 : i32
      %dma_wait3A_61 = tpu.memref_slice %arg11[%add3A_12, %dma_wait3A_60] : memref<10008x128xf32, #tpu.memory_space<vmem_shared>> -> memref<128x128xf32, #tpu.memory_space<vmem_shared>>
      %dma_wait3A_62 = arith.constant 0 : i32
      %dma_wait3A_63 = tpu.memref_slice %arg11[%add3A_12, %dma_wait3A_62] : memref<10008x128xf32, #tpu.memory_space<vmem_shared>> -> memref<128x128xf32, #tpu.memory_space<vmem_shared>>
      %dma_wait3A_64 = arith.constant 0 : i32
      %dma_wait3A_65 = arith.constant 0 : i32
      %dma_wait3A_66 = tpu.memref_slice %arg10[%run_scoped3A_13, %dma_wait3A_64, %dma_wait3A_65] : memref<1x128x128xf32, #tpu.memory_space<vmem>> -> memref<1x128x128xf32, #tpu.memory_space<vmem>>
      %dma_wait3A_67 = tpu.memref_squeeze %dma_wait3A_66 : memref<1x128x128xf32, #tpu.memory_space<vmem>> -> memref<128x128xf32, #tpu.memory_space<vmem>>
      tpu.wait_dma2 semaphore(%run_scoped3A_45 : memref<!tpu.dma_semaphore, #tpu.memory_space<semaphore_mem>>) src(%dma_wait3A_67 : memref<128x128xf32, #tpu.memory_space<vmem>>) dst(%dma_wait3A_63 : memref<128x128xf32, #tpu.memory_space<vmem_shared>>)
      tpu.yield
    }) : () -> ()
    %add3A_14 = arith.constant 256 : i32
    %add3A_15 = arith.addi %mul3A_8, %add3A_14 : i32
    %run_scoped3A_16 = arith.constant 0 : i32
    "tpu.region"() ({
      %run_scoped3A_45 = tpu.sem_alloc : memref<!tpu.dma_semaphore, #tpu.memory_space<semaphore_mem>>
      %dma_start3A = arith.constant 0 : i32
      %dma_start3A_46 = arith.constant 0 : i32
      %dma_start3A_47 = tpu.memref_slice %arg10[%run_scoped3A_16, %dma_start3A, %dma_start3A_46] : memref<1x128x128xf32, #tpu.memory_space<vmem>> -> memref<1x128x128xf32, #tpu.memory_space<vmem>>
      %dma_start3A_48 = tpu.memref_squeeze %dma_start3A_47 : memref<1x128x128xf32, #tpu.memory_space<vmem>> -> memref<128x128xf32, #tpu.memory_space<vmem>>
      %dma_start3A_49 = arith.constant 0 : i32
      %dma_start3A_50 = tpu.memref_slice %arg11[%add3A_15, %dma_start3A_49] : memref<10008x128xf32, #tpu.memory_space<vmem_shared>> -> memref<128x128xf32, #tpu.memory_space<vmem_shared>>
      %dma_start3A_51 = arith.constant 0 : i32
      %dma_start3A_52 = tpu.memref_slice %arg11[%add3A_15, %dma_start3A_51] : memref<10008x128xf32, #tpu.memory_space<vmem_shared>> -> memref<128x128xf32, #tpu.memory_space<vmem_shared>>
      %dma_start3A_53 = arith.constant 0 : i32
      %dma_start3A_54 = arith.constant 0 : i32
      %dma_start3A_55 = tpu.memref_slice %arg10[%run_scoped3A_16, %dma_start3A_53, %dma_start3A_54] : memref<1x128x128xf32, #tpu.memory_space<vmem>> -> memref<1x128x128xf32, #tpu.memory_space<vmem>>
      %dma_start3A_56 = tpu.memref_squeeze %dma_start3A_55 : memref<1x128x128xf32, #tpu.memory_space<vmem>> -> memref<128x128xf32, #tpu.memory_space<vmem>>
      tpu.enqueue_dma source(%dma_start3A_56 : memref<128x128xf32, #tpu.memory_space<vmem>>) target(%dma_start3A_52 : memref<128x128xf32, #tpu.memory_space<vmem_shared>>) target_semaphore(%run_scoped3A_45 : memref<!tpu.dma_semaphore, #tpu.memory_space<semaphore_mem>>)
      %dma_wait3A = arith.constant 0 : i32
      %dma_wait3A_57 = arith.constant 0 : i32
      %dma_wait3A_58 = tpu.memref_slice %arg10[%run_scoped3A_16, %dma_wait3A, %dma_wait3A_57] : memref<1x128x128xf32, #tpu.memory_space<vmem>> -> memref<1x128x128xf32, #tpu.memory_space<vmem>>
      %dma_wait3A_59 = tpu.memref_squeeze %dma_wait3A_58 : memref<1x128x128xf32, #tpu.memory_space<vmem>> -> memref<128x128xf32, #tpu.memory_space<vmem>>
      %dma_wait3A_60 = arith.constant 0 : i32
      %dma_wait3A_61 = tpu.memref_slice %arg11[%add3A_15, %dma_wait3A_60] : memref<10008x128xf32, #tpu.memory_space<vmem_shared>> -> memref<128x128xf32, #tpu.memory_space<vmem_shared>>
      %dma_wait3A_62 = arith.constant 0 : i32
      %dma_wait3A_63 = tpu.memref_slice %arg11[%add3A_15, %dma_wait3A_62] : memref<10008x128xf32, #tpu.memory_space<vmem_shared>> -> memref<128x128xf32, #tpu.memory_space<vmem_shared>>
      %dma_wait3A_64 = arith.constant 0 : i32
      %dma_wait3A_65 = arith.constant 0 : i32
      %dma_wait3A_66 = tpu.memref_slice %arg10[%run_scoped3A_16, %dma_wait3A_64, %dma_wait3A_65] : memref<1x128x128xf32, #tpu.memory_space<vmem>> -> memref<1x128x128xf32, #tpu.memory_space<vmem>>
      %dma_wait3A_67 = tpu.memref_squeeze %dma_wait3A_66 : memref<1x128x128xf32, #tpu.memory_space<vmem>> -> memref<128x128xf32, #tpu.memory_space<vmem>>
      tpu.wait_dma2 semaphore(%run_scoped3A_45 : memref<!tpu.dma_semaphore, #tpu.memory_space<semaphore_mem>>) src(%dma_wait3A_67 : memref<128x128xf32, #tpu.memory_space<vmem>>) dst(%dma_wait3A_63 : memref<128x128xf32, #tpu.memory_space<vmem_shared>>)
      tpu.yield
    }) : () -> ()
    %add3A_17 = arith.constant 384 : i32
    %add3A_18 = arith.addi %mul3A_8, %add3A_17 : i32
    %run_scoped3A_19 = arith.constant 0 : i32
    "tpu.region"() ({
      %run_scoped3A_45 = tpu.sem_alloc : memref<!tpu.dma_semaphore, #tpu.memory_space<semaphore_mem>>
      %dma_start3A = arith.constant 0 : i32
      %dma_start3A_46 = arith.constant 0 : i32
      %dma_start3A_47 = tpu.memref_slice %arg10[%run_scoped3A_19, %dma_start3A, %dma_start3A_46] : memref<1x128x128xf32, #tpu.memory_space<vmem>> -> memref<1x128x128xf32, #tpu.memory_space<vmem>>
      %dma_start3A_48 = tpu.memref_squeeze %dma_start3A_47 : memref<1x128x128xf32, #tpu.memory_space<vmem>> -> memref<128x128xf32, #tpu.memory_space<vmem>>
      %dma_start3A_49 = arith.constant 0 : i32
      %dma_start3A_50 = tpu.memref_slice %arg11[%add3A_18, %dma_start3A_49] : memref<10008x128xf32, #tpu.memory_space<vmem_shared>> -> memref<128x128xf32, #tpu.memory_space<vmem_shared>>
      %dma_start3A_51 = arith.constant 0 : i32
      %dma_start3A_52 = tpu.memref_slice %arg11[%add3A_18, %dma_start3A_51] : memref<10008x128xf32, #tpu.memory_space<vmem_shared>> -> memref<128x128xf32, #tpu.memory_space<vmem_shared>>
      %dma_start3A_53 = arith.constant 0 : i32
      %dma_start3A_54 = arith.constant 0 : i32
      %dma_start3A_55 = tpu.memref_slice %arg10[%run_scoped3A_19, %dma_start3A_53, %dma_start3A_54] : memref<1x128x128xf32, #tpu.memory_space<vmem>> -> memref<1x128x128xf32, #tpu.memory_space<vmem>>
      %dma_start3A_56 = tpu.memref_squeeze %dma_start3A_55 : memref<1x128x128xf32, #tpu.memory_space<vmem>> -> memref<128x128xf32, #tpu.memory_space<vmem>>
      tpu.enqueue_dma source(%dma_start3A_56 : memref<128x128xf32, #tpu.memory_space<vmem>>) target(%dma_start3A_52 : memref<128x128xf32, #tpu.memory_space<vmem_shared>>) target_semaphore(%run_scoped3A_45 : memref<!tpu.dma_semaphore, #tpu.memory_space<semaphore_mem>>)
      %dma_wait3A = arith.constant 0 : i32
      %dma_wait3A_57 = arith.constant 0 : i32
      %dma_wait3A_58 = tpu.memref_slice %arg10[%run_scoped3A_19, %dma_wait3A, %dma_wait3A_57] : memref<1x128x128xf32, #tpu.memory_space<vmem>> -> memref<1x128x128xf32, #tpu.memory_space<vmem>>
      %dma_wait3A_59 = tpu.memref_squeeze %dma_wait3A_58 : memref<1x128x128xf32, #tpu.memory_space<vmem>> -> memref<128x128xf32, #tpu.memory_space<vmem>>
      %dma_wait3A_60 = arith.constant 0 : i32
      %dma_wait3A_61 = tpu.memref_slice %arg11[%add3A_18, %dma_wait3A_60] : memref<10008x128xf32, #tpu.memory_space<vmem_shared>> -> memref<128x128xf32, #tpu.memory_space<vmem_shared>>
      %dma_wait3A_62 = arith.constant 0 : i32
      %dma_wait3A_63 = tpu.memref_slice %arg11[%add3A_18, %dma_wait3A_62] : memref<10008x128xf32, #tpu.memory_space<vmem_shared>> -> memref<128x128xf32, #tpu.memory_space<vmem_shared>>
      %dma_wait3A_64 = arith.constant 0 : i32
      %dma_wait3A_65 = arith.constant 0 : i32
      %dma_wait3A_66 = tpu.memref_slice %arg10[%run_scoped3A_19, %dma_wait3A_64, %dma_wait3A_65] : memref<1x128x128xf32, #tpu.memory_space<vmem>> -> memref<1x128x128xf32, #tpu.memory_space<vmem>>
      %dma_wait3A_67 = tpu.memref_squeeze %dma_wait3A_66 : memref<1x128x128xf32, #tpu.memory_space<vmem>> -> memref<128x128xf32, #tpu.memory_space<vmem>>
      tpu.wait_dma2 semaphore(%run_scoped3A_45 : memref<!tpu.dma_semaphore, #tpu.memory_space<semaphore_mem>>) src(%dma_wait3A_67 : memref<128x128xf32, #tpu.memory_space<vmem>>) dst(%dma_wait3A_63 : memref<128x128xf32, #tpu.memory_space<vmem_shared>>)
      tpu.yield
    }) : () -> ()
    %add3A_20 = arith.constant 512 : i32
    %add3A_21 = arith.addi %mul3A_8, %add3A_20 : i32
    %run_scoped3A_22 = arith.constant 0 : i32
    "tpu.region"() ({
      %run_scoped3A_45 = tpu.sem_alloc : memref<!tpu.dma_semaphore, #tpu.memory_space<semaphore_mem>>
      %dma_start3A = arith.constant 0 : i32
      %dma_start3A_46 = arith.constant 0 : i32
      %dma_start3A_47 = tpu.memref_slice %arg10[%run_scoped3A_22, %dma_start3A, %dma_start3A_46] : memref<1x128x128xf32, #tpu.memory_space<vmem>> -> memref<1x112x128xf32, #tpu.memory_space<vmem>>
      %dma_start3A_48 = tpu.memref_squeeze %dma_start3A_47 : memref<1x112x128xf32, #tpu.memory_space<vmem>> -> memref<112x128xf32, #tpu.memory_space<vmem>>
      %dma_start3A_49 = arith.constant 0 : i32
      %dma_start3A_50 = tpu.memref_slice %arg11[%add3A_21, %dma_start3A_49] : memref<10008x128xf32, #tpu.memory_space<vmem_shared>> -> memref<112x128xf32, #tpu.memory_space<vmem_shared>>
      %dma_start3A_51 = arith.constant 0 : i32
      %dma_start3A_52 = tpu.memref_slice %arg11[%add3A_21, %dma_start3A_51] : memref<10008x128xf32, #tpu.memory_space<vmem_shared>> -> memref<112x128xf32, #tpu.memory_space<vmem_shared>>
      %dma_start3A_53 = arith.constant 0 : i32
      %dma_start3A_54 = arith.constant 0 : i32
      %dma_start3A_55 = tpu.memref_slice %arg10[%run_scoped3A_22, %dma_start3A_53, %dma_start3A_54] : memref<1x128x128xf32, #tpu.memory_space<vmem>> -> memref<1x112x128xf32, #tpu.memory_space<vmem>>
      %dma_start3A_56 = tpu.memref_squeeze %dma_start3A_55 : memref<1x112x128xf32, #tpu.memory_space<vmem>> -> memref<112x128xf32, #tpu.memory_space<vmem>>
      tpu.enqueue_dma source(%dma_start3A_56 : memref<112x128xf32, #tpu.memory_space<vmem>>) target(%dma_start3A_52 : memref<112x128xf32, #tpu.memory_space<vmem_shared>>) target_semaphore(%run_scoped3A_45 : memref<!tpu.dma_semaphore, #tpu.memory_space<semaphore_mem>>)
      %dma_wait3A = arith.constant 0 : i32
      %dma_wait3A_57 = arith.constant 0 : i32
      %dma_wait3A_58 = tpu.memref_slice %arg10[%run_scoped3A_22, %dma_wait3A, %dma_wait3A_57] : memref<1x128x128xf32, #tpu.memory_space<vmem>> -> memref<1x112x128xf32, #tpu.memory_space<vmem>>
      %dma_wait3A_59 = tpu.memref_squeeze %dma_wait3A_58 : memref<1x112x128xf32, #tpu.memory_space<vmem>> -> memref<112x128xf32, #tpu.memory_space<vmem>>
      %dma_wait3A_60 = arith.constant 0 : i32
      %dma_wait3A_61 = tpu.memref_slice %arg11[%add3A_21, %dma_wait3A_60] : memref<10008x128xf32, #tpu.memory_space<vmem_shared>> -> memref<112x128xf32, #tpu.memory_space<vmem_shared>>
      %dma_wait3A_62 = arith.constant 0 : i32
      %dma_wait3A_63 = tpu.memref_slice %arg11[%add3A_21, %dma_wait3A_62] : memref<10008x128xf32, #tpu.memory_space<vmem_shared>> -> memref<112x128xf32, #tpu.memory_space<vmem_shared>>
      %dma_wait3A_64 = arith.constant 0 : i32
      %dma_wait3A_65 = arith.constant 0 : i32
      %dma_wait3A_66 = tpu.memref_slice %arg10[%run_scoped3A_22, %dma_wait3A_64, %dma_wait3A_65] : memref<1x128x128xf32, #tpu.memory_space<vmem>> -> memref<1x112x128xf32, #tpu.memory_space<vmem>>
      %dma_wait3A_67 = tpu.memref_squeeze %dma_wait3A_66 : memref<1x112x128xf32, #tpu.memory_space<vmem>> -> memref<112x128xf32, #tpu.memory_space<vmem>>
      tpu.wait_dma2 semaphore(%run_scoped3A_45 : memref<!tpu.dma_semaphore, #tpu.memory_space<semaphore_mem>>) src(%dma_wait3A_67 : memref<112x128xf32, #tpu.memory_space<vmem>>) dst(%dma_wait3A_63 : memref<112x128xf32, #tpu.memory_space<vmem_shared>>)
      tpu.yield
    }) : () -> ()
    %eq3A = arith.constant 0 : i32
    %eq3A_23 = arith.cmpi eq, %arg1, %eq3A : i32
    %convert_element_type3A = arith.extui %eq3A_23 : i1 to i32
    %cond3A = arith.constant 0 : i32
    %cond3A_24 = arith.cmpi ne, %convert_element_type3A, %cond3A : i32
    scf.if %cond3A_24 {
      %run_scoped3A_45 = arith.constant 0 : i32
      "tpu.region"() ({
        %run_scoped3A_46 = tpu.sem_alloc : memref<!tpu.dma_semaphore, #tpu.memory_space<semaphore_mem>>
        %dma_start3A = arith.constant 0 : i32
        %dma_start3A_47 = arith.constant 0 : i32
        %dma_start3A_48 = tpu.memref_slice %arg10[%run_scoped3A_45, %dma_start3A, %dma_start3A_47] : memref<1x128x128xf32, #tpu.memory_space<vmem>> -> memref<1x16x128xf32, #tpu.memory_space<vmem>>
        %dma_start3A_49 = tpu.memref_squeeze %dma_start3A_48 : memref<1x16x128xf32, #tpu.memory_space<vmem>> -> memref<16x128xf32, #tpu.memory_space<vmem>>
        %dma_start3A_50 = arith.constant 9984 : i32
        %dma_start3A_51 = arith.constant 0 : i32
        %dma_start3A_52 = tpu.memref_slice %arg11[%dma_start3A_50, %dma_start3A_51] : memref<10008x128xf32, #tpu.memory_space<vmem_shared>> -> memref<16x128xf32, #tpu.memory_space<vmem_shared>>
        %dma_start3A_53 = arith.constant 9984 : i32
        %dma_start3A_54 = arith.constant 0 : i32
        %dma_start3A_55 = tpu.memref_slice %arg11[%dma_start3A_53, %dma_start3A_54] : memref<10008x128xf32, #tpu.memory_space<vmem_shared>> -> memref<16x128xf32, #tpu.memory_space<vmem_shared>>
        %dma_start3A_56 = arith.constant 0 : i32
        %dma_start3A_57 = arith.constant 0 : i32
        %dma_start3A_58 = tpu.memref_slice %arg10[%run_scoped3A_45, %dma_start3A_56, %dma_start3A_57] : memref<1x128x128xf32, #tpu.memory_space<vmem>> -> memref<1x16x128xf32, #tpu.memory_space<vmem>>
        %dma_start3A_59 = tpu.memref_squeeze %dma_start3A_58 : memref<1x16x128xf32, #tpu.memory_space<vmem>> -> memref<16x128xf32, #tpu.memory_space<vmem>>
        tpu.enqueue_dma source(%dma_start3A_59 : memref<16x128xf32, #tpu.memory_space<vmem>>) target(%dma_start3A_55 : memref<16x128xf32, #tpu.memory_space<vmem_shared>>) target_semaphore(%run_scoped3A_46 : memref<!tpu.dma_semaphore, #tpu.memory_space<semaphore_mem>>)
        %dma_wait3A = arith.constant 0 : i32
        %dma_wait3A_60 = arith.constant 0 : i32
        %dma_wait3A_61 = tpu.memref_slice %arg10[%run_scoped3A_45, %dma_wait3A, %dma_wait3A_60] : memref<1x128x128xf32, #tpu.memory_space<vmem>> -> memref<1x16x128xf32, #tpu.memory_space<vmem>>
        %dma_wait3A_62 = tpu.memref_squeeze %dma_wait3A_61 : memref<1x16x128xf32, #tpu.memory_space<vmem>> -> memref<16x128xf32, #tpu.memory_space<vmem>>
        %dma_wait3A_63 = arith.constant 9984 : i32
        %dma_wait3A_64 = arith.constant 0 : i32
        %dma_wait3A_65 = tpu.memref_slice %arg11[%dma_wait3A_63, %dma_wait3A_64] : memref<10008x128xf32, #tpu.memory_space<vmem_shared>> -> memref<16x128xf32, #tpu.memory_space<vmem_shared>>
        %dma_wait3A_66 = arith.constant 9984 : i32
        %dma_wait3A_67 = arith.constant 0 : i32
        %dma_wait3A_68 = tpu.memref_slice %arg11[%dma_wait3A_66, %dma_wait3A_67] : memref<10008x128xf32, #tpu.memory_space<vmem_shared>> -> memref<16x128xf32, #tpu.memory_space<vmem_shared>>
        %dma_wait3A_69 = arith.constant 0 : i32
        %dma_wait3A_70 = arith.constant 0 : i32
        %dma_wait3A_71 = tpu.memref_slice %arg10[%run_scoped3A_45, %dma_wait3A_69, %dma_wait3A_70] : memref<1x128x128xf32, #tpu.memory_space<vmem>> -> memref<1x16x128xf32, #tpu.memory_space<vmem>>
        %dma_wait3A_72 = tpu.memref_squeeze %dma_wait3A_71 : memref<1x16x128xf32, #tpu.memory_space<vmem>> -> memref<16x128xf32, #tpu.memory_space<vmem>>
        tpu.wait_dma2 semaphore(%run_scoped3A_46 : memref<!tpu.dma_semaphore, #tpu.memory_space<semaphore_mem>>) src(%dma_wait3A_72 : memref<16x128xf32, #tpu.memory_space<vmem>>) dst(%dma_wait3A_68 : memref<16x128xf32, #tpu.memory_space<vmem_shared>>)
        tpu.yield
      }) : () -> ()
    } else {
    }
    %scan3A_25 = arith.constant 0 : i32
    %scan3A_26 = arith.constant 0 : i32
    %scan3A_27 = arith.constant 80 : i32
    %scan3A_28 = arith.addi %scan3A_26, %scan3A_27 : i32
    %scan3A_29 = arith.constant 1 : i32
    %scan3A_30 = scf.for %scan3A_45 = %scan3A_26 to %scan3A_28 step %scan3A_29 iter_args(%scan3A_46 = %scan3A_25) -> (i32)  : i32 {
      %get3A = arith.index_cast %scan3A_45 : i32 to index
      %get3A_47 = arith.constant 0 : index
      %get3A_48 = tpu.vector_load %arg7[%get3A, %get3A_47] {strides = array<i32>} : memref<80x128xi32, #tpu.memory_space<vmem>>, vector<1x16xi32>,
      %get3A_49 = vector.shape_cast %get3A_48 : vector<1x16xi32> to vector<16xi32>
      %get3A_50 = arith.index_cast %scan3A_45 : i32 to index
      %get3A_51 = arith.constant 0 : index
      %get3A_52 = tpu.vector_load %arg9[%get3A_50, %get3A_51] {strides = array<i32>} : memref<80x128xi32, #tpu.memory_space<vmem>>, vector<1x16xi32>,
      %get3A_53 = vector.shape_cast %get3A_52 : vector<1x16xi32> to vector<16xi32>
      %mul3A_54 = arith.constant 10000 : i32
      %mul3A_55 = vector.broadcast %mul3A_54 : i32 to vector<16xi32>
      %mul3A_56 = arith.muli %get3A_53, %mul3A_55 : vector<16xi32>
      %add3A_57 = arith.addi %get3A_49, %mul3A_56 : vector<16xi32>
      %swap3A = arith.index_cast %scan3A_45 : i32 to index
      %swap3A_58 = arith.constant 0 : index
      %swap3A_59 = tpu.vector_load %arg7[%swap3A, %swap3A_58] {strides = array<i32>} : memref<80x128xi32, #tpu.memory_space<vmem>>, vector<1x16xi32>,
      %swap3A_60 = vector.shape_cast %swap3A_59 : vector<1x16xi32> to vector<16xi32>
      %swap3A_61 = vector.shape_cast %add3A_57 : vector<16xi32> to vector<1x16xi32>
      tpu.vector_store %arg7[%swap3A, %swap3A_58], %swap3A_61 {strides = array<i32>} : memref<80x128xi32, #tpu.memory_space<vmem>>, vector<1x16xi32>,
      %get3A_62 = arith.index_cast %scan3A_45 : i32 to index
      %get3A_63 = arith.constant 16 : index
      %get3A_64 = tpu.vector_load %arg7[%get3A_62, %get3A_63] {strides = array<i32>} : memref<80x128xi32, #tpu.memory_space<vmem>>, vector<1x16xi32>,
      %get3A_65 = vector.shape_cast %get3A_64 : vector<1x16xi32> to vector<16xi32>
      %get3A_66 = arith.index_cast %scan3A_45 : i32 to index
      %get3A_67 = arith.constant 16 : index
      %get3A_68 = tpu.vector_load %arg9[%get3A_66, %get3A_67] {strides = array<i32>} : memref<80x128xi32, #tpu.memory_space<vmem>>, vector<1x16xi32>,
      %get3A_69 = vector.shape_cast %get3A_68 : vector<1x16xi32> to vector<16xi32>
      %mul3A_70 = arith.constant 10000 : i32
      %mul3A_71 = vector.broadcast %mul3A_70 : i32 to vector<16xi32>
      %mul3A_72 = arith.muli %get3A_69, %mul3A_71 : vector<16xi32>
      %add3A_73 = arith.addi %get3A_65, %mul3A_72 : vector<16xi32>
      %swap3A_74 = arith.index_cast %scan3A_45 : i32 to index
      %swap3A_75 = arith.constant 16 : index
      %swap3A_76 = tpu.vector_load %arg7[%swap3A_74, %swap3A_75] {strides = array<i32>} : memref<80x128xi32, #tpu.memory_space<vmem>>, vector<1x16xi32>,
      %swap3A_77 = vector.shape_cast %swap3A_76 : vector<1x16xi32> to vector<16xi32>
      %swap3A_78 = vector.shape_cast %add3A_73 : vector<16xi32> to vector<1x16xi32>
      tpu.vector_store %arg7[%swap3A_74, %swap3A_75], %swap3A_78 {strides = array<i32>} : memref<80x128xi32, #tpu.memory_space<vmem>>, vector<1x16xi32>,
      %get3A_79 = arith.index_cast %scan3A_45 : i32 to index
      %get3A_80 = arith.constant 32 : index
      %get3A_81 = tpu.vector_load %arg7[%get3A_79, %get3A_80] {strides = array<i32>} : memref<80x128xi32, #tpu.memory_space<vmem>>, vector<1x16xi32>,
      %get3A_82 = vector.shape_cast %get3A_81 : vector<1x16xi32> to vector<16xi32>
      %get3A_83 = arith.index_cast %scan3A_45 : i32 to index
      %get3A_84 = arith.constant 32 : index
      %get3A_85 = tpu.vector_load %arg9[%get3A_83, %get3A_84] {strides = array<i32>} : memref<80x128xi32, #tpu.memory_space<vmem>>, vector<1x16xi32>,
      %get3A_86 = vector.shape_cast %get3A_85 : vector<1x16xi32> to vector<16xi32>
      %mul3A_87 = arith.constant 10000 : i32
      %mul3A_88 = vector.broadcast %mul3A_87 : i32 to vector<16xi32>
      %mul3A_89 = arith.muli %get3A_86, %mul3A_88 : vector<16xi32>
      %add3A_90 = arith.addi %get3A_82, %mul3A_89 : vector<16xi32>
      %swap3A_91 = arith.index_cast %scan3A_45 : i32 to index
      %swap3A_92 = arith.constant 32 : index
      %swap3A_93 = tpu.vector_load %arg7[%swap3A_91, %swap3A_92] {strides = array<i32>} : memref<80x128xi32, #tpu.memory_space<vmem>>, vector<1x16xi32>,
      %swap3A_94 = vector.shape_cast %swap3A_93 : vector<1x16xi32> to vector<16xi32>
      %swap3A_95 = vector.shape_cast %add3A_90 : vector<16xi32> to vector<1x16xi32>
      tpu.vector_store %arg7[%swap3A_91, %swap3A_92], %swap3A_95 {strides = array<i32>} : memref<80x128xi32, #tpu.memory_space<vmem>>, vector<1x16xi32>,
      %get3A_96 = arith.index_cast %scan3A_45 : i32 to index
      %get3A_97 = arith.constant 48 : index
      %get3A_98 = tpu.vector_load %arg7[%get3A_96, %get3A_97] {strides = array<i32>} : memref<80x128xi32, #tpu.memory_space<vmem>>, vector<1x16xi32>,
      %get3A_99 = vector.shape_cast %get3A_98 : vector<1x16xi32> to vector<16xi32>
      %get3A_100 = arith.index_cast %scan3A_45 : i32 to index
      %get3A_101 = arith.constant 48 : index
      %get3A_102 = tpu.vector_load %arg9[%get3A_100, %get3A_101] {strides = array<i32>} : memref<80x128xi32, #tpu.memory_space<vmem>>, vector<1x16xi32>,
      %get3A_103 = vector.shape_cast %get3A_102 : vector<1x16xi32> to vector<16xi32>
      %mul3A_104 = arith.constant 10000 : i32
      %mul3A_105 = vector.broadcast %mul3A_104 : i32 to vector<16xi32>
      %mul3A_106 = arith.muli %get3A_103, %mul3A_105 : vector<16xi32>
      %add3A_107 = arith.addi %get3A_99, %mul3A_106 : vector<16xi32>
      %swap3A_108 = arith.index_cast %scan3A_45 : i32 to index
      %swap3A_109 = arith.constant 48 : index
      %swap3A_110 = tpu.vector_load %arg7[%swap3A_108, %swap3A_109] {strides = array<i32>} : memref<80x128xi32, #tpu.memory_space<vmem>>, vector<1x16xi32>,
      %swap3A_111 = vector.shape_cast %swap3A_110 : vector<1x16xi32> to vector<16xi32>
      %swap3A_112 = vector.shape_cast %add3A_107 : vector<16xi32> to vector<1x16xi32>
      tpu.vector_store %arg7[%swap3A_108, %swap3A_109], %swap3A_112 {strides = array<i32>} : memref<80x128xi32, #tpu.memory_space<vmem>>, vector<1x16xi32>,
      %get3A_113 = arith.index_cast %scan3A_45 : i32 to index
      %get3A_114 = arith.constant 64 : index
      %get3A_115 = tpu.vector_load %arg7[%get3A_113, %get3A_114] {strides = array<i32>} : memref<80x128xi32, #tpu.memory_space<vmem>>, vector<1x16xi32>,
      %get3A_116 = vector.shape_cast %get3A_115 : vector<1x16xi32> to vector<16xi32>
      %get3A_117 = arith.index_cast %scan3A_45 : i32 to index
      %get3A_118 = arith.constant 64 : index
      %get3A_119 = tpu.vector_load %arg9[%get3A_117, %get3A_118] {strides = array<i32>} : memref<80x128xi32, #tpu.memory_space<vmem>>, vector<1x16xi32>,
      %get3A_120 = vector.shape_cast %get3A_119 : vector<1x16xi32> to vector<16xi32>
      %mul3A_121 = arith.constant 10000 : i32
      %mul3A_122 = vector.broadcast %mul3A_121 : i32 to vector<16xi32>
      %mul3A_123 = arith.muli %get3A_120, %mul3A_122 : vector<16xi32>
      %add3A_124 = arith.addi %get3A_116, %mul3A_123 : vector<16xi32>
      %swap3A_125 = arith.index_cast %scan3A_45 : i32 to index
      %swap3A_126 = arith.constant 64 : index
      %swap3A_127 = tpu.vector_load %arg7[%swap3A_125, %swap3A_126] {strides = array<i32>} : memref<80x128xi32, #tpu.memory_space<vmem>>, vector<1x16xi32>,
      %swap3A_128 = vector.shape_cast %swap3A_127 : vector<1x16xi32> to vector<16xi32>
      %swap3A_129 = vector.shape_cast %add3A_124 : vector<16xi32> to vector<1x16xi32>
      tpu.vector_store %arg7[%swap3A_125, %swap3A_126], %swap3A_129 {strides = array<i32>} : memref<80x128xi32, #tpu.memory_space<vmem>>, vector<1x16xi32>,
      %get3A_130 = arith.index_cast %scan3A_45 : i32 to index
      %get3A_131 = arith.constant 80 : index
      %get3A_132 = tpu.vector_load %arg7[%get3A_130, %get3A_131] {strides = array<i32>} : memref<80x128xi32, #tpu.memory_space<vmem>>, vector<1x16xi32>,
      %get3A_133 = vector.shape_cast %get3A_132 : vector<1x16xi32> to vector<16xi32>
      %get3A_134 = arith.index_cast %scan3A_45 : i32 to index
      %get3A_135 = arith.constant 80 : index
      %get3A_136 = tpu.vector_load %arg9[%get3A_134, %get3A_135] {strides = array<i32>} : memref<80x128xi32, #tpu.memory_space<vmem>>, vector<1x16xi32>,
      %get3A_137 = vector.shape_cast %get3A_136 : vector<1x16xi32> to vector<16xi32>
      %mul3A_138 = arith.constant 10000 : i32
      %mul3A_139 = vector.broadcast %mul3A_138 : i32 to vector<16xi32>
      %mul3A_140 = arith.muli %get3A_137, %mul3A_139 : vector<16xi32>
      %add3A_141 = arith.addi %get3A_133, %mul3A_140 : vector<16xi32>
      %swap3A_142 = arith.index_cast %scan3A_45 : i32 to index
      %swap3A_143 = arith.constant 80 : index
      %swap3A_144 = tpu.vector_load %arg7[%swap3A_142, %swap3A_143] {strides = array<i32>} : memref<80x128xi32, #tpu.memory_space<vmem>>, vector<1x16xi32>,
      %swap3A_145 = vector.shape_cast %swap3A_144 : vector<1x16xi32> to vector<16xi32>
      %swap3A_146 = vector.shape_cast %add3A_141 : vector<16xi32> to vector<1x16xi32>
      tpu.vector_store %arg7[%swap3A_142, %swap3A_143], %swap3A_146 {strides = array<i32>} : memref<80x128xi32, #tpu.memory_space<vmem>>, vector<1x16xi32>,
      %get3A_147 = arith.index_cast %scan3A_45 : i32 to index
      %get3A_148 = arith.constant 96 : index
      %get3A_149 = tpu.vector_load %arg7[%get3A_147, %get3A_148] {strides = array<i32>} : memref<80x128xi32, #tpu.memory_space<vmem>>, vector<1x16xi32>,
      %get3A_150 = vector.shape_cast %get3A_149 : vector<1x16xi32> to vector<16xi32>
      %get3A_151 = arith.index_cast %scan3A_45 : i32 to index
      %get3A_152 = arith.constant 96 : index
      %get3A_153 = tpu.vector_load %arg9[%get3A_151, %get3A_152] {strides = array<i32>} : memref<80x128xi32, #tpu.memory_space<vmem>>, vector<1x16xi32>,
      %get3A_154 = vector.shape_cast %get3A_153 : vector<1x16xi32> to vector<16xi32>
      %mul3A_155 = arith.constant 10000 : i32
      %mul3A_156 = vector.broadcast %mul3A_155 : i32 to vector<16xi32>
      %mul3A_157 = arith.muli %get3A_154, %mul3A_156 : vector<16xi32>
      %add3A_158 = arith.addi %get3A_150, %mul3A_157 : vector<16xi32>
      %swap3A_159 = arith.index_cast %scan3A_45 : i32 to index
      %swap3A_160 = arith.constant 96 : index
      %swap3A_161 = tpu.vector_load %arg7[%swap3A_159, %swap3A_160] {strides = array<i32>} : memref<80x128xi32, #tpu.memory_space<vmem>>, vector<1x16xi32>,
      %swap3A_162 = vector.shape_cast %swap3A_161 : vector<1x16xi32> to vector<16xi32>
      %swap3A_163 = vector.shape_cast %add3A_158 : vector<16xi32> to vector<1x16xi32>
      tpu.vector_store %arg7[%swap3A_159, %swap3A_160], %swap3A_163 {strides = array<i32>} : memref<80x128xi32, #tpu.memory_space<vmem>>, vector<1x16xi32>,
      %get3A_164 = arith.index_cast %scan3A_45 : i32 to index
      %get3A_165 = arith.constant 112 : index
      %get3A_166 = tpu.vector_load %arg7[%get3A_164, %get3A_165] {strides = array<i32>} : memref<80x128xi32, #tpu.memory_space<vmem>>, vector<1x16xi32>,
      %get3A_167 = vector.shape_cast %get3A_166 : vector<1x16xi32> to vector<16xi32>
      %get3A_168 = arith.index_cast %scan3A_45 : i32 to index
      %get3A_169 = arith.constant 112 : index
      %get3A_170 = tpu.vector_load %arg9[%get3A_168, %get3A_169] {strides = array<i32>} : memref<80x128xi32, #tpu.memory_space<vmem>>, vector<1x16xi32>,
      %get3A_171 = vector.shape_cast %get3A_170 : vector<1x16xi32> to vector<16xi32>
      %mul3A_172 = arith.constant 10000 : i32
      %mul3A_173 = vector.broadcast %mul3A_172 : i32 to vector<16xi32>
      %mul3A_174 = arith.muli %get3A_171, %mul3A_173 : vector<16xi32>
      %add3A_175 = arith.addi %get3A_167, %mul3A_174 : vector<16xi32>
      %swap3A_176 = arith.index_cast %scan3A_45 : i32 to index
      %swap3A_177 = arith.constant 112 : index
      %swap3A_178 = tpu.vector_load %arg7[%swap3A_176, %swap3A_177] {strides = array<i32>} : memref<80x128xi32, #tpu.memory_space<vmem>>, vector<1x16xi32>,
      %swap3A_179 = vector.shape_cast %swap3A_178 : vector<1x16xi32> to vector<16xi32>
      %swap3A_180 = vector.shape_cast %add3A_175 : vector<16xi32> to vector<1x16xi32>
      tpu.vector_store %arg7[%swap3A_176, %swap3A_177], %swap3A_180 {strides = array<i32>} : memref<80x128xi32, #tpu.memory_space<vmem>>, vector<1x16xi32>,
      %scan3A_181 = arith.constant 0 : i32
      scf.yield %scan3A_181 : i32
    }
    %scan3A_31 = arith.constant 80 : i32
    %barrier3A = arith.constant 0 : index
    tpu.barrier barrier_id(%barrier3A)
    %scan3A_32 = arith.constant 0 : i32
    %scan3A_33 = arith.constant 0 : i32
    %scan3A_34 = arith.constant 80 : i32
    %scan3A_35 = arith.addi %scan3A_33, %scan3A_34 : i32
    %scan3A_36 = arith.constant 1 : i32
    %scan3A_37 = scf.for %scan3A_45 = %scan3A_33 to %scan3A_35 step %scan3A_36 iter_args(%scan3A_46 = %scan3A_32) -> (i32)  : i32 {
      %run_scoped3A_47 = arith.constant 0 : i32
      "tpu.region"() ({
        %run_scoped3A_50 = tpu.sem_alloc : memref<!tpu.dma_semaphore, #tpu.memory_space<semaphore_mem>>
        %dma_start3A = arith.constant 0 : i32
        %dma_start3A_51 = arith.constant 0 : i32
        %dma_start3A_52 = tpu.memref_slice %arg10[%run_scoped3A_47, %dma_start3A, %dma_start3A_51] : memref<1x128x128xf32, #tpu.memory_space<vmem>> -> memref<1x128x128xf32, #tpu.memory_space<vmem>>
        %dma_start3A_53 = tpu.memref_squeeze %dma_start3A_52 : memref<1x128x128xf32, #tpu.memory_space<vmem>> -> memref<128x128xf32, #tpu.memory_space<vmem>>
        %dma_start3A_54 = arith.constant 0 : i32
        %dma_start3A_55 = tpu.memref_slice %arg7[%scan3A_45, %dma_start3A_54] : memref<80x128xi32, #tpu.memory_space<vmem>> -> memref<1x128xi32, #tpu.memory_space<vmem>>
        %dma_start3A_56 = tpu.memref_squeeze %dma_start3A_55 : memref<1x128xi32, #tpu.memory_space<vmem>> -> memref<128xi32, #tpu.memory_space<vmem>>
        %dma_start3A_57 = arith.constant 0 : i32
        %dma_start3A_58 = arith.constant 0 : i32
        %dma_start3A_59 = tpu.memref_slice %arg2[%dma_start3A_57, %dma_start3A_58] : memref<160000x128xf32, #tpu.memory_space<hbm>> -> memref<160000x128xf32, #tpu.memory_space<hbm>>
        tpu.enqueue_indirect_dma source(%dma_start3A_59 : memref<160000x128xf32, #tpu.memory_space<hbm>>) target(%dma_start3A_53 : memref<128x128xf32, #tpu.memory_space<vmem>>) offsets(%dma_start3A_56 : memref<128xi32, #tpu.memory_space<vmem>>) semaphore(%run_scoped3A_50 : memref<!tpu.dma_semaphore, #tpu.memory_space<semaphore_mem>>)
        %dma_wait3A = arith.constant 0 : i32
        %dma_wait3A_60 = arith.constant 0 : i32
        %dma_wait3A_61 = tpu.memref_slice %arg10[%run_scoped3A_47, %dma_wait3A, %dma_wait3A_60] : memref<1x128x128xf32, #tpu.memory_space<vmem>> -> memref<1x128x128xf32, #tpu.memory_space<vmem>>
        %dma_wait3A_62 = tpu.memref_squeeze %dma_wait3A_61 : memref<1x128x128xf32, #tpu.memory_space<vmem>> -> memref<128x128xf32, #tpu.memory_space<vmem>>
        %dma_wait3A_63 = arith.constant 0 : i32
        %dma_wait3A_64 = tpu.memref_slice %arg7[%scan3A_45, %dma_wait3A_63] : memref<80x128xi32, #tpu.memory_space<vmem>> -> memref<1x128xi32, #tpu.memory_space<vmem>>
        %dma_wait3A_65 = tpu.memref_squeeze %dma_wait3A_64 : memref<1x128xi32, #tpu.memory_space<vmem>> -> memref<128xi32, #tpu.memory_space<vmem>>
        %dma_wait3A_66 = arith.constant 0 : i32
        %dma_wait3A_67 = arith.constant 0 : i32
        %dma_wait3A_68 = tpu.memref_slice %arg2[%dma_wait3A_66, %dma_wait3A_67] : memref<160000x128xf32, #tpu.memory_space<hbm>> -> memref<160000x128xf32, #tpu.memory_space<hbm>>
        tpu.wait_indirect_dma semaphore(%run_scoped3A_50 : memref<!tpu.dma_semaphore, #tpu.memory_space<semaphore_mem>>) src(%dma_wait3A_68 : memref<160000x128xf32, #tpu.memory_space<hbm>>) dst(%dma_wait3A_62 : memref<128x128xf32, #tpu.memory_space<vmem>>)
        tpu.yield
      }) : () -> ()
      %run_scoped3A_48 = arith.constant 0 : i32
      "tpu.region"() ({
        %run_scoped3A_50 = tpu.sem_alloc : memref<!tpu.dma_semaphore, #tpu.memory_space<semaphore_mem>>
        %dma_start3A = arith.constant 0 : i32
        %dma_start3A_51 = arith.constant 0 : i32
        %dma_start3A_52 = tpu.memref_slice %arg10[%run_scoped3A_48, %dma_start3A, %dma_start3A_51] : memref<1x128x128xf32, #tpu.memory_space<vmem>> -> memref<1x128x128xf32, #tpu.memory_space<vmem>>
        %dma_start3A_53 = tpu.memref_squeeze %dma_start3A_52 : memref<1x128x128xf32, #tpu.memory_space<vmem>> -> memref<128x128xf32, #tpu.memory_space<vmem>>
        %dma_start3A_54 = arith.constant 0 : i32
        %dma_start3A_55 = tpu.memref_slice %arg8[%scan3A_45, %dma_start3A_54] : memref<80x128xi32, #tpu.memory_space<vmem>> -> memref<1x128xi32, #tpu.memory_space<vmem>>
        %dma_start3A_56 = tpu.memref_squeeze %dma_start3A_55 : memref<1x128xi32, #tpu.memory_space<vmem>> -> memref<128xi32, #tpu.memory_space<vmem>>
        %dma_start3A_57 = arith.constant 0 : i32
        %dma_start3A_58 = arith.constant 0 : i32
        %dma_start3A_59 = tpu.memref_slice %arg11[%dma_start3A_57, %dma_start3A_58] : memref<10008x128xf32, #tpu.memory_space<vmem_shared>> -> memref<10008x128xf32, #tpu.memory_space<vmem_shared>>
        tpu.enqueue_indirect_dma source(%dma_start3A_53 : memref<128x128xf32, #tpu.memory_space<vmem>>) target(%dma_start3A_59 : memref<10008x128xf32, #tpu.memory_space<vmem_shared>>) offsets(%dma_start3A_56 : memref<128xi32, #tpu.memory_space<vmem>>) semaphore(%run_scoped3A_50 : memref<!tpu.dma_semaphore, #tpu.memory_space<semaphore_mem>>) {add = true}
        %dma_wait3A = arith.constant 0 : i32
        %dma_wait3A_60 = arith.constant 0 : i32
        %dma_wait3A_61 = tpu.memref_slice %arg10[%run_scoped3A_48, %dma_wait3A, %dma_wait3A_60] : memref<1x128x128xf32, #tpu.memory_space<vmem>> -> memref<1x128x128xf32, #tpu.memory_space<vmem>>
        %dma_wait3A_62 = tpu.memref_squeeze %dma_wait3A_61 : memref<1x128x128xf32, #tpu.memory_space<vmem>> -> memref<128x128xf32, #tpu.memory_space<vmem>>
        %dma_wait3A_63 = arith.constant 0 : i32
        %dma_wait3A_64 = tpu.memref_slice %arg8[%scan3A_45, %dma_wait3A_63] : memref<80x128xi32, #tpu.memory_space<vmem>> -> memref<1x128xi32, #tpu.memory_space<vmem>>
        %dma_wait3A_65 = tpu.memref_squeeze %dma_wait3A_64 : memref<1x128xi32, #tpu.memory_space<vmem>> -> memref<128xi32, #tpu.memory_space<vmem>>
        %dma_wait3A_66 = arith.constant 0 : i32
        %dma_wait3A_67 = arith.constant 0 : i32
        %dma_wait3A_68 = tpu.memref_slice %arg11[%dma_wait3A_66, %dma_wait3A_67] : memref<10008x128xf32, #tpu.memory_space<vmem_shared>> -> memref<10008x128xf32, #tpu.memory_space<vmem_shared>>
        tpu.wait_indirect_dma semaphore(%run_scoped3A_50 : memref<!tpu.dma_semaphore, #tpu.memory_space<semaphore_mem>>) src(%dma_wait3A_62 : memref<128x128xf32, #tpu.memory_space<vmem>>) dst(%dma_wait3A_68 : memref<10008x128xf32, #tpu.memory_space<vmem_shared>>)
        tpu.yield
      }) : () -> ()
      %scan3A_49 = arith.constant 0 : i32
      scf.yield %scan3A_49 : i32
    }
    %scan3A_38 = arith.constant 80 : i32
    %barrier3A_39 = arith.constant 0 : index
    tpu.barrier barrier_id(%barrier3A_39)
    "tpu.region"() ({
      %run_scoped3A_45 = tpu.sem_alloc : memref<!tpu.dma_semaphore, #tpu.memory_space<semaphore_mem>>
      %dma_start3A = arith.constant 0 : i32
      %dma_start3A_46 = tpu.memref_slice %arg6[%arg0, %mul3A_8, %dma_start3A] : memref<2x10000x128xf32, #tpu.memory_space<hbm>> -> memref<1x624x128xf32, #tpu.memory_space<hbm>>
      %dma_start3A_47 = tpu.memref_squeeze %dma_start3A_46 : memref<1x624x128xf32, #tpu.memory_space<hbm>> -> memref<624x128xf32, #tpu.memory_space<hbm>>
      %dma_start3A_48 = arith.constant 0 : i32
      %dma_start3A_49 = tpu.memref_slice %arg11[%mul3A_8, %dma_start3A_48] : memref<10008x128xf32, #tpu.memory_space<vmem_shared>> -> memref<624x128xf32, #tpu.memory_space<vmem_shared>>
      tpu.enqueue_dma source(%dma_start3A_49 : memref<624x128xf32, #tpu.memory_space<vmem_shared>>) target(%dma_start3A_47 : memref<624x128xf32, #tpu.memory_space<hbm>>) target_semaphore(%run_scoped3A_45 : memref<!tpu.dma_semaphore, #tpu.memory_space<semaphore_mem>>)
      %dma_wait3A = arith.constant 0 : i32
      %dma_wait3A_50 = tpu.memref_slice %arg6[%arg0, %mul3A_8, %dma_wait3A] : memref<2x10000x128xf32, #tpu.memory_space<hbm>> -> memref<1x624x128xf32, #tpu.memory_space<hbm>>
      %dma_wait3A_51 = tpu.memref_squeeze %dma_wait3A_50 : memref<1x624x128xf32, #tpu.memory_space<hbm>> -> memref<624x128xf32, #tpu.memory_space<hbm>>
      %dma_wait3A_52 = arith.constant 0 : i32
      %dma_wait3A_53 = tpu.memref_slice %arg11[%mul3A_8, %dma_wait3A_52] : memref<10008x128xf32, #tpu.memory_space<vmem_shared>> -> memref<624x128xf32, #tpu.memory_space<vmem_shared>>
      tpu.wait_dma2 semaphore(%run_scoped3A_45 : memref<!tpu.dma_semaphore, #tpu.memory_space<semaphore_mem>>) src(%dma_wait3A_53 : memref<624x128xf32, #tpu.memory_space<vmem_shared>>) dst(%dma_wait3A_51 : memref<624x128xf32, #tpu.memory_space<hbm>>)
      tpu.yield
    }) : () -> ()
    %eq3A_40 = arith.constant 0 : i32
    %eq3A_41 = arith.cmpi eq, %arg1, %eq3A_40 : i32
    %convert_element_type3A_42 = arith.extui %eq3A_41 : i1 to i32
    %cond3A_43 = arith.constant 0 : i32
    %cond3A_44 = arith.cmpi ne, %convert_element_type3A_42, %cond3A_43 : i32
    scf.if %cond3A_44 {
      "tpu.region"() ({
        %run_scoped3A_45 = tpu.sem_alloc : memref<!tpu.dma_semaphore, #tpu.memory_space<semaphore_mem>>
        %dma_start3A = arith.constant 9984 : i32
        %dma_start3A_46 = arith.constant 0 : i32
        %dma_start3A_47 = tpu.memref_slice %arg6[%arg0, %dma_start3A, %dma_start3A_46] : memref<2x10000x128xf32, #tpu.memory_space<hbm>> -> memref<1x16x128xf32, #tpu.memory_space<hbm>>
        %dma_start3A_48 = tpu.memref_squeeze %dma_start3A_47 : memref<1x16x128xf32, #tpu.memory_space<hbm>> -> memref<16x128xf32, #tpu.memory_space<hbm>>
        %dma_start3A_49 = arith.constant 9984 : i32
        %dma_start3A_50 = arith.constant 0 : i32
        %dma_start3A_51 = tpu.memref_slice %arg11[%dma_start3A_49, %dma_start3A_50] : memref<10008x128xf32, #tpu.memory_space<vmem_shared>> -> memref<16x128xf32, #tpu.memory_space<vmem_shared>>
        tpu.enqueue_dma source(%dma_start3A_51 : memref<16x128xf32, #tpu.memory_space<vmem_shared>>) target(%dma_start3A_48 : memref<16x128xf32, #tpu.memory_space<hbm>>) target_semaphore(%run_scoped3A_45 : memref<!tpu.dma_semaphore, #tpu.memory_space<semaphore_mem>>)
        %dma_wait3A = arith.constant 9984 : i32
        %dma_wait3A_52 = arith.constant 0 : i32
        %dma_wait3A_53 = tpu.memref_slice %arg6[%arg0, %dma_wait3A, %dma_wait3A_52] : memref<2x10000x128xf32, #tpu.memory_space<hbm>> -> memref<1x16x128xf32, #tpu.memory_space<hbm>>
        %dma_wait3A_54 = tpu.memref_squeeze %dma_wait3A_53 : memref<1x16x128xf32, #tpu.memory_space<hbm>> -> memref<16x128xf32, #tpu.memory_space<hbm>>
        %dma_wait3A_55 = arith.constant 9984 : i32
        %dma_wait3A_56 = arith.constant 0 : i32
        %dma_wait3A_57 = tpu.memref_slice %arg11[%dma_wait3A_55, %dma_wait3A_56] : memref<10008x128xf32, #tpu.memory_space<vmem_shared>> -> memref<16x128xf32, #tpu.memory_space<vmem_shared>>
        tpu.wait_dma2 semaphore(%run_scoped3A_45 : memref<!tpu.dma_semaphore, #tpu.memory_space<semaphore_mem>>) src(%dma_wait3A_57 : memref<16x128xf32, #tpu.memory_space<vmem_shared>>) dst(%dma_wait3A_54 : memref<16x128xf32, #tpu.memory_space<hbm>>)
        tpu.yield
      }) : () -> ()
    } else {
    }
    return
  }
}

module attributes {stable_mosaic.version = 14 : i64} {
  func.func @_add_body(%arg0: i32, %arg1: memref<2x1000x128xf32, #tpu.memory_space<vmem>>, %arg2: memref<1000x128xf32, #tpu.memory_space<vmem>>) attributes {dimension_semantics = [#tpu.dimension_semantics<arbitrary>], iteration_bounds = array<i64: 10>, scalar_prefetch = 0 : i64, scratch_operands = 0 : i64, tpu.core_type = #tpu.core_type<tc>, window_params = [{transform_indices = @transform_0, window_bounds = array<i64: 2, 1000, 128>}, {transform_indices = @transform_1, window_bounds = array<i64: 1000, 128>}]} {
    %get3A = arith.constant 0 : index
    %get3A_0 = arith.constant 0 : index
    %get3A_1 = arith.constant 0 : index
    %get3A_2 = vector.load %arg1[%get3A, %get3A_0, %get3A_1] : memref<2x1000x128xf32, #tpu.memory_space<vmem>>, vector<1x1000x128xf32>
    %get3A_3 = vector.shape_cast %get3A_2 : vector<1x1000x128xf32> to vector<1000x128xf32>
    %get3A_4 = arith.constant 1 : index
    %get3A_5 = arith.constant 0 : index
    %get3A_6 = arith.constant 0 : index
    %get3A_7 = vector.load %arg1[%get3A_4, %get3A_5, %get3A_6] : memref<2x1000x128xf32, #tpu.memory_space<vmem>>, vector<1x1000x128xf32>
    %get3A_8 = vector.shape_cast %get3A_7 : vector<1x1000x128xf32> to vector<1000x128xf32>
    %add3A = arith.addf %get3A_3, %get3A_8 : vector<1000x128xf32>
    %swap3A = arith.constant 0 : index
    %swap3A_9 = arith.constant 0 : index
    %swap3A_10 = vector.load %arg2[%swap3A, %swap3A_9] : memref<1000x128xf32, #tpu.memory_space<vmem>>, vector<1000x128xf32>
    tpu.vector_store %arg2[%swap3A, %swap3A_9], %add3A {strides = array<i32>} : memref<1000x128xf32, #tpu.memory_space<vmem>>, vector<1000x128xf32>,
    return
  }
  func.func @transform_0(%arg0: i32) -> (i32, i32, i32) {
    %c0_i32 = arith.constant 0 : i32
    %c0_i32_0 = arith.constant 0 : i32
    %c0_i32_1 = arith.constant 0 : i32
    return %c0_i32, %arg0, %c0_i32_0 : i32, i32, i32
  }
  func.func @transform_1(%arg0: i32) -> (i32, i32) {
    %c0_i32 = arith.constant 0 : i32
    %c0_i32_0 = arith.constant 0 : i32
    return %arg0, %c0_i32 : i32, i32
  }
}

module attributes {stable_mosaic.version = 14 : i64} {
  func.func @_tab_body(%arg0: i32, %arg1: i32, %arg2: memref<16x1xf32, #tpu.memory_space<smem>>, %arg3: memref<1000x128xf32, #tpu.memory_space<vmem>>, %arg4: memref<1x1000x128xf32, #tpu.memory_space<vmem>>) attributes {dimension_semantics = [#tpu.dimension_semantics<arbitrary>, #tpu.dimension_semantics<arbitrary>], iteration_bounds = array<i64: 10, 16>, scalar_prefetch = 0 : i64, scratch_operands = 0 : i64, tpu.core_type = #tpu.core_type<tc>, window_params = [{transform_indices = @transform_0, window_bounds = array<i64: 16, 1>}, {transform_indices = @transform_1, window_bounds = array<i64: 1000, 128>}, {transform_indices = @transform_2, window_bounds = array<i64: 1, 1000, 128>}]} {
    %get3A = arith.index_cast %arg1 : i32 to index
    %get3A_0 = arith.constant 0 : index
    %get3A_1 = memref.load %arg2[%get3A, %get3A_0] : memref<16x1xf32, #tpu.memory_space<smem>>
    %get3A_2 = arith.constant 0 : index
    %get3A_3 = arith.constant 0 : index
    %get3A_4 = vector.load %arg3[%get3A_2, %get3A_3] : memref<1000x128xf32, #tpu.memory_space<vmem>>, vector<1000x128xf32>
    %mul3A = vector.broadcast %get3A_1 : f32 to vector<1000x128xf32>
    %mul3A_5 = arith.mulf %mul3A, %get3A_4 : vector<1000x128xf32>
    %tanh3A = math.tanh %mul3A_5 : vector<1000x128xf32>
    %swap3A = arith.constant 0 : index
    %swap3A_6 = arith.constant 0 : index
    %swap3A_7 = arith.constant 0 : index
    %swap3A_8 = vector.load %arg4[%swap3A, %swap3A_6, %swap3A_7] : memref<1x1000x128xf32, #tpu.memory_space<vmem>>, vector<1x1000x128xf32>
    %swap3A_9 = vector.shape_cast %swap3A_8 : vector<1x1000x128xf32> to vector<1000x128xf32>
    %swap3A_10 = vector.shape_cast %tanh3A : vector<1000x128xf32> to vector<1x1000x128xf32>
    tpu.vector_store %arg4[%swap3A, %swap3A_6, %swap3A_7], %swap3A_10 {strides = array<i32>} : memref<1x1000x128xf32, #tpu.memory_space<vmem>>, vector<1x1000x128xf32>,
    return
  }
  func.func @transform_0(%arg0: i32, %arg1: i32) -> (i32, i32) {
    %c0_i32 = arith.constant 0 : i32
    %c0_i32_0 = arith.constant 0 : i32
    %c0_i32_1 = arith.constant 0 : i32
    return %c0_i32, %c0_i32_0 : i32, i32
  }
  func.func @transform_1(%arg0: i32, %arg1: i32) -> (i32, i32) {
    %c0_i32 = arith.constant 0 : i32
    %c0_i32_0 = arith.constant 0 : i32
    return %arg0, %c0_i32 : i32, i32
  }
  func.func @transform_2(%arg0: i32, %arg1: i32) -> (i32, i32, i32) {
    %c0_i32 = arith.constant 0 : i32
    %c0_i32_0 = arith.constant 0 : i32
    return %arg1, %arg0, %c0_i32 : i32, i32, i32
  }
}

</mosaic_0001>

<sc_bundles>
// kernel: kernel.5.cloned.1.call-start
scs
__scs_entry_jumppad:
0x0: {  	(pc) =	sbr.rel $0x88, $3  }
0x1: {  	(tag) =	ssettag $0x0;
	lr =	simm.s32 $0x1  }
0x2: {  	[smem:$0x3F9D] =	sst lr;
	_ =	strace $0xD0000000  }
0x3: {  	_ = 	snop  }
0x4: {  	_ = 	snop  }
0x5: {  	_ = 	snop  }
0x6: {  	_ = 	snop  }
0x7: {  	_ = 	snop  }
__scs_overlays_trampoline_lowered:
0x8: {  	[smem:$0x3FAC] =	sst s0  }
0x9: {  	[smem:$0x3FAD] =	sst s1  }
0xa: {  	[smem:$0x3FAE] =	sst s2  }
0xb: {  	[smem:$0x3FAF] =	sst s3  }
0xc: {  	[smem:$0x3FB0] =	sst s4  }
0xd: {  	[smem:$0x3FB1] =	sst s5  }
0xe: {  	[smem:$0x3FB2] =	sst s6  }
0xf: {  	[smem:$0x3FB3] =	sst s7  }
0x10: {  	[smem:$0x3FB4] =	sst s8  }
0x11: {  	[smem:$0x3FB5] =	sst s9;
	s0 =	simm.s32 @!p0 $0x0  }
0x12: {  	s1 =	sld [smem:$0x3F9B];
	s0 =	simm.s32 @p0 $0x1  }
0x13: {  	[smem:$0x3FB6] =	sst s0;
	s0 =	simm.s32 @!p1 $0x0  }
0x14: {  	s2 =	sld [smem:$0x3F9A];
	s0 =	simm.s32 @p1 $0x1  }
0x15: {  	[smem:$0x3FB7] =	sst s0;
	s0 =	simm.s32 @!p2 $0x0  }
0x16: {  	s3 =	sld [smem:$0x3FDB];
	s0 =	simm.s32 @p2 $0x1  }
0x17: {  	s4 =	simm.s32 $0x1BF5;
	[smem:$0x3FB9] =	sst s0  }
0x18: {  	s0 =	sld [smem:$0x3F9C];
	_ =	swait.ge [sflag:s4], $0x0  }
0x19: {  	s7 =	sld [smem:$0x3F9D]  }
0x1a: {  	s8 =	sadd.s32 $0xFFFFE003, lr  }
0x1b: {  	s9 =	sadd.s32 $0xFFFFFEF7, lr;
	s5 =	simm.s32 $0xFFFFFFFF;
	p2 =	slt.u32 s8, $0xFFFFF086  }
0x1c: {  	p1 =	slt.u32 s9, $0xF7A;
	s5 =	simm.s32 @!p2 $0x0  }
0x1d: {  	s5 =	simm.s32 @p1 $0x1;
	p0 =	seq.s32 s7, s2  }
0x1e: {  	s7 =	smul.u32 @!p0 $0xF7A, s2;
	p2 =	seq.s32 @!p0 s5, $0x0  }
0x1f: {  	s9 =	smul.u32 $0xF7A, s1;
	s8 =	simm.s32 @!p0 $0x1BF5;
	p2 =	por !p2, p0  }
0x20: {  	[sflag:s8] =	ssyncset.s32 @!p0 $0xFFFFF086;
	s6 =	sadd.s32 @!p0 s3, s7;
	s7 =	simm.s32 @!p0 $0x108  }
0x21: {  	s3 =	sadd.s32 s3, s9;
	s6 =	sadd.s32 @!p0 $0x88, s6;
	s7 =	simm.s32 @p2 $0x1082  }
0x22: {  	[simem:s7], [sflag:s8] =	dma.local @!p0 [hbm:s6], $0xF7A  }
0x23: {  	s9 =	sor.u32 $0xD0000000, s2;
	s6 =	simm.s32 $0x108;
	_ =	swait.ge @!p0 [sflag:s8], $0x0  }
0x24: {  	s3 =	sadd.s32 $0x88, s3;
	s6 =	simm.s32 @!p1 $0x1082;
	[sflag:s4] =	ssyncset.s32 $0xFFFFF086  }
0x25: {  	[simem:s6], [sflag:s4] =	dma.local [hbm:s3], $0xF7A  }
0x26: {  	[smem:$0x3F9D] =	sst s1;
	(tag) =	ssettag s2;
	_ =	strace s9  }
0x27: {  	s1 =	sld [smem:$0x3FAD]  }
0x28: {  	s2 =	sld [smem:$0x3FAE]  }
0x29: {  	s4 =	sld [smem:$0x3FB0]  }
0x2a: {  	p0 =	seq.s32 s5, $0x0;
	s5 =	sld [smem:$0x3FB1]  }
0x2b: {  	s6 =	sld [smem:$0x3FB2]  }
0x2c: {  	s7 =	sld [smem:$0x3FB3]  }
0x2d: {  	s3 =	simm.s32 $0x108;
	s8 =	sld [smem:$0x3FB4]  }
0x2e: {  	s3 =	simm.s32 @!p0 $0x1082;
	s9 =	sld [smem:$0x3FB5]  }
0x2f: {  	lr =	sadd.s32 s0, s3;
	s0 =	sld [smem:$0x3FAC]  }
0x30: {  	s3 =	sld [smem:$0x3FAF]  }
0x31: {  	[smem:$0x3FB8] =	sst s10  }
0x32: {  	s10 =	sld [smem:$0x3FB6];
	_ =	sdelay $0x3  }
0x33: {  	p0 =	seq.s32 s10, $0x1;
	s10 =	sld [smem:$0x3FB8];
	_ =	sdelay $0x3  }
0x34: {  	[smem:$0x3FB8] =	sst s10  }
0x35: {  	s10 =	sld [smem:$0x3FB7];
	_ =	sdelay $0x3  }
0x36: {  	p1 =	seq.s32 s10, $0x1;
	s10 =	sld [smem:$0x3FB8];
	_ =	sdelay $0x3  }
0x37: {  	[smem:$0x3FB8] =	sst s10  }
0x38: {  	s10 =	sld [smem:$0x3FB9]  }
0x39: {  	_ = 	snop;
	(pc) =	sbr.ind lr, $3  }
0x3a: {  	_ = 	snop  }
0x3b: {  	_ = 	snop  }
0x3c: {  	p2 =	seq.s32 s10, $0x1;
	s10 =	sld [smem:$0x3FB8]  }
0x3d: {  	_ =	shalt  }
0x3e: {  	_ =	shalt  }
0x3f: {  	_ =	shalt  }
0x40: {  	_ =	shalt  }
0x41: {  	_ =	shalt  }
0x42: {  	_ =	shalt  }
0x43: {  	_ =	shalt  }
0x44: {  	_ =	shalt  }
0x45: {  	_ =	shalt  }
0x46: {  	_ =	shalt  }
0x47: {  	_ =	shalt  }
0x48: {  	_ =	shalt  }
0x49: {  	_ =	shalt  }
0x4a: {  	_ =	shalt  }
0x4b: {  	_ =	shalt  }
0x4c: {  	_ =	shalt  }
0x4d: {  	_ =	shalt  }
0x4e: {  	_ =	shalt  }
0x4f: {  	_ =	shalt  }
0x50: {  	_ =	shalt  }
0x51: {  	_ =	shalt  }
0x52: {  	_ =	shalt  }
0x53: {  	_ =	shalt  }
0x54: {  	_ =	shalt  }
0x55: {  	_ =	shalt  }
0x56: {  	_ =	shalt  }
0x57: {  	_ =	shalt  }
0x58: {  	_ =	shalt  }
0x59: {  	_ =	shalt  }
0x5a: {  	_ =	shalt  }
0x5b: {  	_ =	shalt  }
0x5c: {  	_ =	shalt  }
0x5d: {  	_ =	shalt  }
0x5e: {  	_ =	shalt  }
0x5f: {  	_ =	shalt  }
0x60: {  	_ =	shalt  }
0x61: {  	_ =	shalt  }
0x62: {  	_ =	shalt  }
0x63: {  	_ =	shalt  }
0x64: {  	_ =	shalt  }
0x65: {  	_ =	shalt  }
0x66: {  	_ =	shalt  }
0x67: {  	_ =	shalt  }
0x68: {  	_ =	shalt  }
0x69: {  	_ =	shalt  }
0x6a: {  	_ =	shalt  }
0x6b: {  	_ =	shalt  }
0x6c: {  	_ =	shalt  }
0x6d: {  	_ =	shalt  }
0x6e: {  	_ =	shalt  }
0x6f: {  	_ =	shalt  }
0x70: {  	_ =	shalt  }
0x71: {  	_ =	shalt  }
0x72: {  	_ =	shalt  }
0x73: {  	_ =	shalt  }
0x74: {  	_ =	shalt  }
0x75: {  	_ =	shalt  }
0x76: {  	_ =	shalt  }
0x77: {  	_ =	shalt  }
0x78: {  	_ =	shalt  }
0x79: {  	_ =	shalt  }
0x7a: {  	_ =	shalt  }
0x7b: {  	_ =	shalt  }
0x7c: {  	_ =	shalt  }
0x7d: {  	_ =	shalt  }
0x7e: {  	_ =	shalt  }
0x7f: {  	_ =	shalt  }
0x80: {  	_ =	shalt  }
0x81: {  	_ =	shalt  }
0x82: {  	_ =	shalt  }
0x83: {  	_ =	shalt  }
0x84: {  	_ =	shalt  }
0x85: {  	_ =	shalt  }
0x86: {  	_ =	shalt  }
0x87: {  	_ =	shalt  }
.Lfunc_end0:
.L_simem_size_0:
called_computation_lowered:
.L_overlay_start_0:
0x88: {  	s2 =	sld [smem:$0x3FD9]  }
0x89: {  	s3 =	sld [smem:$0x3FFE];
	_ =	sdelay $0x1  }
0x8a: {  	s1 =	srdreg.scid  }
0x8b: {  	s0 =	sand.u32 $0x1, s1  }
0x8c: {  	s17 =	sshll.u32 s0, $0xA;
	s2 =	sadd.s32 s3, s2  }
0x8d: {  	s2 =	sadd.s32 s2, s17  }
0x8e: {  	[smem:$0x3FC4] =	sst s2  }
0x8f: {  	_ = 	snop  }
0x90: {  	s2 =	sld [smem:$0x3FD0];
	(tm) =	ssettm $0x1  }
0x91: {  	s18 =	sld [smem:$0x3FFB];
	_ =	sdelay $0x3  }
0x92: {  	_ =	strace s18  }
0x93: {  	s3 =	sld [smem:$0x3FFC];
	_ =	sdelay $0x3  }
0x94: {  	_ =	strace s3  }
0x95: {  	s3 =	sld [smem:$0x3FFD];
	_ =	sdelay $0x3  }
0x96: {  	_ =	strace s3  }
0x97: {  	_ =	strace $0x8FFFFFFF  }
0x98: {  	s19 =	sld [smem:$0x3FDB];
	_ =	sdelay $0x1  }
0x99: {  	s4 =	simm.s32 $_scs_section_size  }
0x9a: {  	s5 =	simm.s32 $_size__tile_overlayer_lowered;
	s6 =	simm.s32 $_tile_overlayer_lowered  }
0x9b: {  	s22 =	simm.s32 $0x1BFF;
	s21 =	sshll.u32 s6, $0x1;
	s3 =	sadd.s32 s4, s19  }
0x9c: {  	s7 =	simm.s32 $0x0;
	s20 =	sshll.u32 s5, $0x1;
	s5 =	sadd.s32 s21, s3  }
0x9d: {  	[timem:s7], [sflag:s22] =	dma.local [hbm:s5], s20  }
0x9e: {  	_ =	swait.ge [sflag:s22], s20  }
0x9f: {  	s4 =	ssub.s32 $0x0, s20;
	[sflag:s22] =	ssyncset.done $0x0  }
0xa0: {  	[sflag:s22] =	ssyncadd.s32 s4;
	_ =	sdelay $0x1  }
0xa1: {  	s23 =	simm.s32 $0x1B8B  }
0xa2: {  	_ =	swait.ge [sflag:s23], $0x1  }
0xa3: {  	[sflag:s23] =	ssyncset.done $0x0  }
0xa4: {  	s25 =	simm.s32 $0x1B8E;
	s24 =	sld [smem:$0x3FFE];
	[sflag:s23] =	ssyncadd.s32 $0xFFFFFFFF  }
0xa5: {  	s26 =	simm.s32 $execute0_lowered;
	[smem:$0x3FD2] =	sst s25  }
0xa6: {  	s5 =	sshll.u32 s26, $0x1;
	_ =	strace $0x80000046;
	[dreg:$0x1] =	wrdreg $0xFFFFFFFF  }
0xa7: {  	s28 =	simm.s32 $_size_execute0_lowered;
	s3 =	sadd.s32 s3, s5;
	[dreg:$0x0] =	wrdreg $0x0  }
0xa8: {  	s5 =	sshll.u32 s28, $0x1;
	[dreg:$0x2] =	wrdreg s3  }
0xa9: {  	[dreg:$0x3] =	wrdreg s5  }
0xaa: {  	[dreg:$0x4] =	wrdreg $0xC0  }
0xab: {  	_ =	task [dreg:s7], $0x5FFFF  }
0xac: {  	[dreg:$0x1] =	wrdreg $0xFFFFFFFF  }
0xad: {  	[dreg:$0x0] =	wrdreg $0x60  }
0xae: {  	[dreg:$0x2] =	wrdreg s24  }
0xaf: {  	[dreg:$0x3] =	wrdreg s2  }
0xb0: {  	[dreg:$0x4] =	wrdreg $0xB8000  }
0xb1: {  	[dreg:$0x5] =	wrdreg $0x9  }
0xb2: {  	_ =	task.clear_ibuf [dreg:s7], $0x6FFFF;
	_ =	strace $0x90000046  }
0xb3: {  	s29 =	simm.s32 $0x9;
	_ =	strace $0x80000048  }
0xb4: {  	_ =	swait.ge [sflag:s29], $0x1  }
0xb5: {  	[sflag:s29] =	ssyncadd.s32 $0xFFFFFFFF  }
0xb6: {  	_ =	strace $0x90000048  }
0xb7: {  	_ =	sfence  }
0xb8: {  	s30 =	sld [smem:$0x0];
	_ =	sdelay $0x2  }
0xb9: {  	s31 =	sshll.u32 s1, $0xD;
	s1 =	sshrl.u32 s1, $0x2  }
0xba: {  	s3 =	sand.u32 $0x4000, s31;
	s1 =	sadd.s32 s1, s30  }
0xbb: {  	s0 =	sor.u32 s3, s0;
	s1 =	sshll.u32 s1, $0x11  }
0xbc: {  	s0 =	sor.u32 s1, s0  }
0xbd: {  	s0 =	sadd.s32 $0x8F2B, s0  }
0xbe: {  	[sflag:s0] =	ssyncadd.remote.s32 $0x1  }
0xbf: {  	_ =	sfence.sel $0xFFFF  }
0xc0: {  	[dreg:$0x0] =	wrdreg $0xFFFFFFFF;
	(pc) =	sbr.abs _section_cstart, $3  }
0xc1: {  	[dreg:$0x1] =	wrdreg $0xFFFFFFFF  }
0xc2: {  	_ =	task.clear_ibuf [dreg:s7], $0x2FFFF;
	_ =	strace $0x9FFFFFFF  }
0xc3: {  	(tm) =	ssettm $0x7FFFFFFF  }
tec
execute0_lowered:
.L_overlay_start_1:
0x0: {  	(tag) =	ssettag $0x1  }
0x1: {  	s5 =	rddreg [dreg:$0x0]  }
0x2: {  	s6 =	rddreg [dreg:$0x1]  }
0x3: {  	s1 =	rddreg [dreg:$0x2];
	s2 =	srdreg.scid  }
0x4: {  	s0 =	rddreg [dreg:$0x3];
	s3 =	stileid.u32;
	s18 =	simm.s32 $0x2800  }
0x5: {  	s19 =	simm.s32 $0x5000;
	s20 =	simm.s32 $0x7800;
	s21 =	simm.s32 $0x80  }
0x6: {  	s22 =	simm.s32 $0x0;
	s7 =	sand.u32 $0x1, s2;
	s10 =	smul.u32 $0x4E000, s3  }
0x7: {  	s2 =	simm.s32 $0x0;
	s15 =	sadd.s32 $0x285600, s5;
	s12 =	smul.u32 $0x13800, s3  }
0x8: {  	p0 =	sne.s32 s3, $0x0;
	s4 =	sshll.u32 s7, $0x4;
	[smem:$0x7FF] =	sst s2  }
0x9: {  	s9 =	ssub.s32 $0x2, s7;
	s13 =	smul.u32 $0x138800, s7;
	s4 =	sor.u32 s3, s4  }
0xa: {  	_ =	strace $0x80000047;
	s30 =	sshrl.u32 s9, $0x1;
	s31 =	sshrl.u32 s10, $0x2  }
0xb: {  	s8 =	smul.u32 $0x500, s4;
	s4 =	sadd.s32 $0x14600, s5;
	s16 =	ssub.s32 s9, s30  }
0xc: {  	s14 =	sadd.s32 s12, s13;
	s17 =	sshrl.u32 s13, $0x3;
	s13 =	sadd.s32 $0x138000, s1  }
0xd: {  	s14 =	sshrl.u32 s14, $0x3;
	s16 =	smax.u32 s16, $0x1;
	s11 =	sadd.s32 s8, s5  }
0xe: {  	s5 =	sadd.s32 s6, s8;
	s6 =	sadd.s32 s31, s1;
	s14 =	sadd.s32 s15, s14  }
0xf: {  	s15 =	sadd.s32 s15, s17;
	s17 =	simm.s32 $0x1;
	s7 =	sadd.s32 $0xA600, s11  }
0x10: {  	s8 =	sadd.s32 $0x600, s11;
	s9 =	sadd.s32 $0x4000, s6;
	s10 =	sadd.s32 $0x8000, s6  }
0x11: {  	v0 =	vimm.f32 $0.0e+00;
	s11 =	sadd.s32 $0xC000, s6;
	s12 =	sadd.s32 $0x10000, s6;
	s15 =	sadd.s32 $0x27000, s15  }
.LBB2_1:
0x12: {  	[tilespmem:s2], [sflag:$0x1] =	stream.linear.gather [hbm4b:s5+s2], $0x2800, $0x38;
	[tilespmem:$0x1F0C0] =	vst v63  }
0x13: {  	_ =	swait.ge [sflag:s17], $0x2800  }
0x14: {  	[sflag:s17] =	ssyncset.done $0x0  }
0x15: {  	[sflag:s17] =	ssyncadd.s32 $0xFFFFD800  }
0x16: {  	[tilespmem:s18], [sflag:$0x1] =	stream.linear.gather [hbm4b:s7+s2], $0x2800, $0x38;
	[tilespmem:$0x1F0C0] =	vst v63  }
0x17: {  	_ =	swait.ge [sflag:s17], $0x2800  }
0x18: {  	[sflag:s17] =	ssyncset.done $0x0  }
0x19: {  	[sflag:s17] =	ssyncadd.s32 $0xFFFFD800  }
0x1a: {  	[tilespmem:s19], [sflag:$0x1] =	stream.linear.gather [hbm4b:s8+s2], $0x2800, $0x38;
	[tilespmem:$0x1F0C0] =	vst v63  }
0x1b: {  	_ =	swait.ge [sflag:s17], $0x2800  }
0x1c: {  	[sflag:s17] =	ssyncset.done $0x0  }
0x1d: {  	s23 =	simm.s32 $0x0;
	s24 =	simm.s32 $0x200;
	[sflag:s17] =	ssyncadd.s32 $0xFFFFD800  }
.LBB2_2:
0x1e: {  	p1 =	sne.s32 s24, $0xFE00;
	[tilespmem:s23+$0x7870] =	vst v0  }
0x1f: {  	[tilespmem:s23+$0x7800] =	vst v0  }
0x20: {  	[tilespmem:s23+$0x7810] =	vst v0  }
.Ltmp0:
0x21: {  	[tilespmem:s23+$0x7820] =	vst v0;
	(pc) =	sbr.rel @p1 .LBB2_2-.Ltmp0, $4  }
0x22: {  	[tilespmem:s23+$0x7830] =	vst v0  }
0x23: {  	[tilespmem:s23+$0x7840] =	vst v0  }
0x24: {  	[tilespmem:s23+$0x7850] =	vst v0  }
0x25: {  	[tilespmem:s23+$0x7860] =	vst v0;
	s23 =	sshra.s32 s24, $0x2;
	s24 =	sadd.s32 $0x200, s24  }
0x26: {  	[tilespmem:s23+$0x7870] =	vst v0  }
0x27: {  	[tilespmem:s23+$0x7800] =	vst v0  }
0x28: {  	[tilespmem:s23+$0x7810] =	vst v0  }
0x29: {  	[tilespmem:s23+$0x7820] =	vst v0  }
0x2a: {  	[tilespmem:s23+$0x7830] =	vst v0  }
0x2b: {  	[tilespmem:s23+$0x7840] =	vst v0  }
0x2c: {  	[tilespmem:s23+$0x7850] =	vst v0  }
0x2d: {  	[tilespmem:s23+$0x7860] =	vst v0  }
0x2e: {  	[spmem:s6] =	stream.linear.scatter [tilespmem:s20], [sflag:$0x1], $0x4000, $0x38;
	[tilespmem:$0x1F0C0] =	vst v63  }
0x2f: {  	_ =	swait.ge [sflag:s17], $0x4000  }
0x30: {  	[sflag:s17] =	ssyncset.done $0x0  }
0x31: {  	[sflag:s17] =	ssyncadd.s32 $0xFFFFC000  }
0x32: {  	[spmem:s9] =	stream.linear.scatter [tilespmem:s20], [sflag:$0x1], $0x4000, $0x38;
	[tilespmem:$0x1F0C0] =	vst v63  }
0x33: {  	_ =	swait.ge [sflag:s17], $0x4000  }
0x34: {  	[sflag:s17] =	ssyncset.done $0x0  }
0x35: {  	[sflag:s17] =	ssyncadd.s32 $0xFFFFC000  }
0x36: {  	[spmem:s10] =	stream.linear.scatter [tilespmem:s20], [sflag:$0x1], $0x4000, $0x38;
	[tilespmem:$0x1F0C0] =	vst v63  }
0x37: {  	_ =	swait.ge [sflag:s17], $0x4000  }
0x38: {  	[sflag:s17] =	ssyncset.done $0x0  }
0x39: {  	[sflag:s17] =	ssyncadd.s32 $0xFFFFC000  }
0x3a: {  	[spmem:s11] =	stream.linear.scatter [tilespmem:s20], [sflag:$0x1], $0x4000, $0x38;
	[tilespmem:$0x1F0C0] =	vst v63  }
0x3b: {  	_ =	swait.ge [sflag:s17], $0x4000  }
0x3c: {  	[sflag:s17] =	ssyncset.done $0x0  }
0x3d: {  	[sflag:s17] =	ssyncadd.s32 $0xFFFFC000  }
0x3e: {  	[spmem:s12] =	stream.linear.scatter [tilespmem:s20], [sflag:$0x1], $0x3800, $0x38;
	[tilespmem:$0x1F0C0] =	vst v63  }
0x3f: {  	_ =	swait.ge [sflag:s17], $0x3800  }
0x40: {  	[sflag:s17] =	ssyncset.done $0x0  }
0x41: {  	s23 =	simm.s32 @!p0 $0x7800;
	[sflag:s17] =	ssyncadd.s32 $0xFFFFC800  }
0x42: {  	[spmem:s13] =	stream.linear.scatter @!p0 [tilespmem:s23], [sflag:$0x1], $0x800, $0x38;
	[tilespmem:$0x1F0C0] =	vst v63  }
0x43: {  	s23 =	simm.s32 @!p0 $0x1  }
0x44: {  	_ =	swait.ge @!p0 [sflag:s23], $0x800  }
0x45: {  	[sflag:s23] =	ssyncset.done @!p0 $0x0  }
0x46: {  	[sflag:s23] =	ssyncadd.s32 @!p0 $0xFFFFF800;
	s23 =	simm.s32 $0x0  }
0x47: {  	v7 =	vld [tilespmem:s23+$0x5000]  }
0x48: {  	v12 =	vld [tilespmem:s23+$0x5010]  }
0x49: {  	v6 =	vld [tilespmem:s23+$0x5020]  }
0x4a: {  	v5 =	vld [tilespmem:s23+$0x5030]  }
0x4b: {  	v4 =	vld [tilespmem:s23+$0x5040]  }
0x4c: {  	v3 =	vld [tilespmem:s23+$0x5050]  }
0x4d: {  	v2 =	vld [tilespmem:s23+$0x5060]  }
0x4e: {  	v1 =	vld [tilespmem:s23+$0x5070]  }
0x4f: {  	v11 =	vld [tilespmem:s23+$0x0]  }
0x50: {  	v10 =	vld [tilespmem:s23+$0x10]  }
0x51: {  	v9 =	vld [tilespmem:s23+$0x20]  }
0x52: {  	v8 =	vld [tilespmem:s23+$0x30];
	v13 =	vmul.u32 $0x2710, v7  }
0x53: {  	s24 =	simm.s32 $0x200;
	v12 =	vmul.u32 $0x2710, v12;
	v7 =	vld [tilespmem:s23+$0x40]  }
.LBB2_4:
0x54: {  	p1 =	sne.s32 s24, $0x9E00;
	v11 =	vadd.s32 v11, v13;
	v6 =	vmul.u32 $0x2710, v6;
	v13 =	vld [tilespmem:s23+$0x50]  }
0x55: {  	v5 =	vmul.u32 $0x2710, v5;
	[tilespmem:s23+$0x0] =	vst v11;
	v10 =	vadd.s32 v10, v12;
	v11 =	vld [tilespmem:s23+$0x60]  }
0x56: {  	s25 =	sshra.s32 s24, $0x2;
	v4 =	vmul.u32 $0x2710, v4;
	[tilespmem:s23+$0x10] =	vst v10;
	v6 =	vadd.s32 v9, v6;
	v9 =	vld [tilespmem:s23+$0x70]  }
0x57: {  	v3 =	vmul.u32 $0x2710, v3;
	v12 =	vld [tilespmem:s25+$0x5000];
	[tilespmem:s23+$0x20] =	vst v6;
	v5 =	vadd.s32 v8, v5  }
0x58: {  	v2 =	vmul.u32 $0x2710, v2;
	v14 =	vld [tilespmem:s25+$0x5010];
	[tilespmem:s23+$0x30] =	vst v5;
	v4 =	vadd.s32 v7, v4  }
0x59: {  	v1 =	vmul.u32 $0x2710, v1;
	v6 =	vld [tilespmem:s25+$0x5020];
	[tilespmem:s23+$0x40] =	vst v4;
	v3 =	vadd.s32 v13, v3  }
0x5a: {  	v5 =	vld [tilespmem:s25+$0x5030];
	[tilespmem:s23+$0x50] =	vst v3;
	v2 =	vadd.s32 v11, v2  }
0x5b: {  	v4 =	vld [tilespmem:s25+$0x5040];
	[tilespmem:s23+$0x60] =	vst v2;
	v1 =	vadd.s32 v9, v1  }
0x5c: {  	v3 =	vld [tilespmem:s25+$0x5050];
	[tilespmem:s23+$0x70] =	vst v1;
	s23 =	smov.u32 s25  }
0x5d: {  	v2 =	vld [tilespmem:s23+$0x5060]  }
0x5e: {  	v1 =	vld [tilespmem:s23+$0x5070]  }
.Ltmp1:
0x5f: {  	v11 =	vld [tilespmem:s23+$0x0];
	(pc) =	sbr.rel @p1 .LBB2_4-.Ltmp1, $4  }
0x60: {  	v10 =	vld [tilespmem:s23+$0x10]  }
0x61: {  	v9 =	vld [tilespmem:s23+$0x20]  }
0x62: {  	v13 =	vmul.u32 $0x2710, v12;
	v8 =	vld [tilespmem:s23+$0x30]  }
0x63: {  	s24 =	sadd.s32 $0x200, s24;
	v12 =	vmul.u32 $0x2710, v14;
	v7 =	vld [tilespmem:s23+$0x40]  }
0x64: {  	v11 =	vadd.s32 v11, v13;
	v61 =	vld [tilespmem:s23+$0x50];
	v6 =	vmul.u32 $0x2710, v6  }
0x65: {  	v62 =	vld [tilespmem:s23+$0x60];
	v5 =	vmul.u32 $0x2710, v5;
	[tilespmem:s23+$0x0] =	vst v11;
	v10 =	vadd.s32 v10, v12  }
0x66: {  	v4 =	vmul.u32 $0x2710, v4;
	v63 =	vld [tilespmem:s23+$0x70];
	[tilespmem:s23+$0x10] =	vst v10;
	v6 =	vadd.s32 v9, v6  }
0x67: {  	v3 =	vmul.u32 $0x2710, v3;
	[tilespmem:s23+$0x20] =	vst v6;
	v5 =	vadd.s32 v8, v5  }
0x68: {  	v2 =	vmul.u32 $0x2710, v2;
	[tilespmem:s23+$0x30] =	vst v5;
	v4 =	vadd.s32 v7, v4  }
0x69: {  	v1 =	vmul.u32 $0x2710, v1;
	[tilespmem:s23+$0x40] =	vst v4;
	v3 =	vadd.s32 v61, v3  }
0x6a: {  	v2 =	vadd.s32 v62, v2;
	[tilespmem:s23+$0x50] =	vst v3  }
0x6b: {  	v1 =	vadd.s32 v63, v1;
	[tilespmem:s23+$0x60] =	vst v2  }
0x6c: {  	[tilespmem:s23+$0x70] =	vst v1  }
0x6d: {  	s30 =	simm.s32 $0x0;
	[bflag:$0x0] =	sbarrier.arrive $0xFFFF  }
0x6e: {  	[tilespmem:s20], [sflag:$0x1] =	stream.indirect.gather [hbm4b:s4+s21], $0x80, s30, s21, $0xb8;
	[tilespmem:$0x1F0C0] =	vst v63  }
0x6f: {  	_ =	swait.ge [sflag:s17], $0x4000  }
0x70: {  	[sflag:s17] =	ssyncset.done $0x0  }
0x71: {  	s31 =	simm.s32 $0x2800;
	[sflag:s17] =	ssyncadd.s32 $0xFFFFC000  }
0x72: {  	[spmem:s1] =	stream.indirect.scatter.add.f32 [tilespmem:s20], [sflag:$0x1], $0x80, s31, s21, $0xb8;
	[tilespmem:$0x1F0C0] =	vst v63  }
0x73: {  	_ =	swait.ge [sflag:s17], $0x4000  }
0x74: {  	s24 =	simm.s32 $0x400;
	s23 =	simm.s32 $0x200;
	[sflag:s17] =	ssyncset.done $0x0  }
.LBB2_6:
0x75: {  	s25 =	sshra.s32 s23, $0x2  }
0x76: {  	[sflag:s17] =	ssyncadd.s32 $0xFFFFC000;
	s23 =	smov.u32 s24;
	s26 =	sadd.s32 $0x200, s24  }
0x77: {  	[tilespmem:s20], [sflag:$0x1] =	stream.indirect.gather [hbm4b:s4+s21], $0x80, s25, s21, $0xb8;
	[tilespmem:$0x1F0C0] =	vst v63  }
0x78: {  	p1 =	sne.s32 s24, $0x9E00;
	_ =	swait.ge [sflag:s17], $0x4000  }
.Ltmp2:
0x79: {  	[sflag:s17] =	ssyncset.done $0x0;
	(pc) =	sbr.rel @p1 .LBB2_6-.Ltmp2, $4  }
0x7a: {  	s24 =	sadd.s32 $0x2800, s25;
	[sflag:s17] =	ssyncadd.s32 $0xFFFFC000  }
0x7b: {  	[spmem:s1] =	stream.indirect.scatter.add.f32 [tilespmem:s20], [sflag:$0x1], $0x80, s24, s21, $0xb8;
	[tilespmem:$0x1F0C0] =	vst v63  }
0x7c: {  	_ =	swait.ge [sflag:s17], $0x4000  }
0x7d: {  	s24 =	smov.u32 s26;
	[sflag:s17] =	ssyncset.done $0x0  }
0x7e: {  	s23 =	sshra.s32 s23, $0x2;
	[sflag:s17] =	ssyncadd.s32 $0xFFFFC000  }
0x7f: {  	[tilespmem:s20], [sflag:$0x1] =	stream.indirect.gather [hbm4b:s4+s21], $0x80, s23, s21, $0xb8;
	[tilespmem:$0x1F0C0] =	vst v63  }
0x80: {  	_ =	swait.ge [sflag:s17], $0x4000  }
0x81: {  	[sflag:s17] =	ssyncset.done $0x0  }
0x82: {  	s23 =	sadd.s32 $0x2800, s23;
	[sflag:s17] =	ssyncadd.s32 $0xFFFFC000  }
0x83: {  	[spmem:s1] =	stream.indirect.scatter.add.f32 [tilespmem:s20], [sflag:$0x1], $0x80, s23, s21, $0xb8;
	[tilespmem:$0x1F0C0] =	vst v63  }
0x84: {  	_ =	swait.ge [sflag:s17], $0x4000  }
0x85: {  	[sflag:s17] =	ssyncset.done $0x0  }
0x86: {  	s31 =	sshll.u32 s3, $0x6;
	[sflag:s17] =	ssyncadd.s32 $0xFFFFC000  }
0x87: {  	s24 =	sshrl.u32 s6, $0x3;
	s23 =	sor.u32 $0x1C01, s31;
	[bflag:$0x0] =	sbarrier.arrive $0xFFFF  }
0x88: {  	[hbm:s14], [sflag:s23] =	dma.local [spmem:s24], $0x2700  }
0x89: {  	_ =	swait.ge [sflag:s17], $0x2700  }
0x8a: {  	s22 =	sadd.s32 $0x1, s22;
	[sflag:s17] =	ssyncset.done $0x0  }
0x8b: {  	p1 =	sne.s32 s22, s16;
	s24 =	sshrl.u32 @!p0 s13, $0x3;
	[sflag:s17] =	ssyncadd.s32 $0xFFFFD900  }
0x8c: {  	[hbm:s15], [sflag:s23] =	dma.local @!p0 [spmem:s24], $0x100  }
.Ltmp3:
0x8d: {  	_ = 	snop;
	(pc) =	sbr.rel @p1 .LBB2_1-.Ltmp3, $4  }
0x8e: {  	s23 =	simm.s32 @!p0 $0x1  }
0x8f: {  	_ =	swait.ge @!p0 [sflag:s23], $0x100  }
0x90: {  	[sflag:s23] =	ssyncset.done @!p0 $0x0  }
0x91: {  	[sflag:s23] =	ssyncadd.s32 @!p0 $0xFFFFFF00  }
0x92: {  	_ =	sfence.sel $0x180000  }
0x93: {  	[bflag:$0x0] =	sbarrier.arrive $0xFFFF  }
0x94: {  	_ =	strace $0x90000047  }
0x95: {  	s0 =	sadd.s32 @!p0 $0x100000, s0;
	[bflag:$0x2] =	sbarrier.arrive $0xFFFF  }
0x96: {  	[sflag:s0] =	ssyncadd.tile.s32 @!p0 $0x1;
	_ =	shalt  }
.Lfunc_end2:
_tile_overlayer_lowered:
.L_overlay_start_2:
0x97: {  	(tag) =	ssettag $0x2  }
0x98: {  	s0 =	rddreg [dreg:$0x0];
	s2 =	stileid.u32  }
0x99: {  	s1 =	rddreg [dreg:$0x1];
	p0 =	sne.s32 s2, $0x0  }
0x9a: {  	s3 =	rddreg [dreg:$0x2];
	[bflag:$0x3] =	sbarrier.arrive $0xFFFF;
	s2 =	simm.s32 @!p0 $0x1C01  }
0x9b: {  	[timem:s3], [sflag:s2] =	dma.local @!p0 [hbm:s0], s1  }
0x9c: {  	s0 =	simm.s32 @!p0 $0x1  }
0x9d: {  	_ =	swait.ge @!p0 [sflag:s0], s1  }
0x9e: {  	s1 =	ssub.s32 @!p0 $0x0, s1;
	[sflag:s0] =	ssyncset.done @!p0 $0x0  }
0x9f: {  	[sflag:s0] =	ssyncadd.s32 @!p0 s1  }
0xa0: {  	[bflag:$0x3] =	sbarrier.arrive $0xFFFF  }
0xa1: {  	_ =	shalt  }

</sc_bundles>
